<compile_context>
chip_gen: v7x
topology: tpu7x:2x2x1
jax: 0.10.2.dev20260603
libtpu: 0.0.44.dev20260713+nightly
codegen_flags: <defaults>
</compile_context>

<pallas_src>
import functools
from math import sqrt

import jax
import jax.numpy as jnp
from jax import lax
from jax.experimental import pallas as pl
from jax.experimental.pallas import tpu as pltpu
from jax.experimental.pallas import tpu_sc as plsc

D_MODEL = 64
SCALE = float(sqrt(D_MODEL))
LANES = 16

NUM_CORES = 2
NUM_SUBCORES = 16
NUM_WORKERS = NUM_CORES * NUM_SUBCORES

NBUF = 4
CHUNK = 256


@functools.lru_cache(maxsize=None)
def _make_lookup(B: int, D: int):
    C = CHUNK
    assert B % (8 * NUM_WORKERS) == 0
    b_per_w = B // NUM_WORKERS
    assert b_per_w % (C * NBUF) == 0
    n_chunks = b_per_w // C
    n_outer = n_chunks // NBUF
    mesh = plsc.VectorSubcoreMesh(core_axis_name="c", subcore_axis_name="s")

    @functools.partial(
        pl.kernel,
        mesh=mesh,
        out_type=jax.ShapeDtypeStruct((B, D), jnp.float32),
        scratch_types=(
            [pltpu.VMEM((b_per_w,), jnp.int32)]
            + [pltpu.VMEM((C, D), jnp.float32) for _ in range(NBUF)]
            + [pltpu.SemaphoreType.DMA for _ in range(NBUF)]
        ),
        compiler_params=pltpu.CompilerParams(use_tc_tiling_on_sc=False),
    )
    def lookup(idx_hbm, table_hbm, out_hbm, idx_v, b0, b1, b2, b3, s0, s1, s2, s3):
        bufs = [b0, b1, b2, b3]
        sems = [s0, s1, s2, s3]
        wid = lax.axis_index("s") * NUM_CORES + lax.axis_index("c")
        base = wid * b_per_w
        pltpu.sync_copy(idx_hbm.at[pl.ds(base, b_per_w)], idx_v)

        def start_gather(g, b):
            pltpu.async_copy(
                table_hbm.at[idx_v.at[pl.ds(g * C, C)]], bufs[b], sems[b]
            )

        def wait_gather(g, b):
            pltpu.make_async_copy(
                table_hbm.at[idx_v.at[pl.ds(g * C, C)]], bufs[b], sems[b]
            ).wait()

        def start_store(g, b):
            pltpu.async_copy(bufs[b], out_hbm.at[pl.ds(base + g * C, C)], sems[b])

        def wait_store(b):
            pltpu.make_async_copy(
                bufs[b], out_hbm.at[pl.ds(base, C)], sems[b]
            ).wait()

        def scale_buf(b):
            buf = bufs[b]

            @plsc.parallel_loop(0, C, 1, unroll=8)
            def _(r):
                for j in range(D // LANES):
                    sl = pl.ds(j * LANES, LANES)
                    buf[r, sl] = buf[r, sl] * SCALE

        for b in range(NBUF - 1):
            start_gather(b, b)

        def outer(o, carry):
            for b in range(NBUF):
                g = o * NBUF + b
                wait_gather(g, b)
                scale_buf(b)
                start_store(g, b)
                bp = (b - 1) % NBUF
                g_next = g + NBUF - 1

                @pl.when(g_next < n_chunks)
                def _():
                    @pl.when(g > 0)
                    def _():
                        wait_store(bp)

                    start_gather(g_next, bp)

            return carry

        lax.fori_loop(0, n_outer, outer, 0)

        for b in range(NBUF):
            wait_store(b)

    return lookup


def kernel(x, table):
    B = x.shape[0] * x.shape[1]
    idx = x.reshape(-1).astype(jnp.int32)
    out = _make_lookup(B, D_MODEL)(idx, table)
    return out.reshape(x.shape[0], x.shape[1], D_MODEL)

# --- scband reference (transcript-rebuilt; emitter-appended) ---
"""Pipeline reference for scband-embeddings-74861279969601 (READ-ONLY COPY).

The authoritative reference and input builder live on the scoring server;
editing this copy changes nothing except your own understanding.
"""

import jax, jax.numpy as jnp
import numpy as np
from math import sqrt

D_MODEL = 64
VOCAB = 1000000

def setup_inputs(seed: int = 0) -> dict:
    key = jax.random.key(seed)
    k1, k2 = jax.random.split(key)
    x = jax.random.randint(k1, (4096, 200), 0, VOCAB, dtype=jnp.int64)
    table = jax.random.normal(k2, (VOCAB, D_MODEL), dtype=jnp.float32)
    return {"x": x, "table": table}

def reference(x, table):
    # Embeddings.forward: embedding lookup scaled by sqrt(d_model)
    emb = jnp.take(table, x, axis=0)
    return emb * sqrt(D_MODEL)

if __name__ == "__main__":
    import jax
    _d = setup_inputs()
    print(jax.jit(kernel)(*tuple(_d.values())))

</pallas_src>

<mosaic_0001>
#map = affine_map<(d0, d1) -> (0)>
#map1 = affine_map<(d0, d1) -> (0, 0)>
module attributes {stable_mosaic.version = 14 : i64} {
  func.func @lookup(%arg0: i32, %arg1: i32, %arg2: memref<819200xi32, #tpu.memory_space<hbm>>, %arg3: memref<1000000x64xf32, #tpu.memory_space<hbm>>, %arg4: memref<819200x64xf32, #tpu.memory_space<hbm>>, %arg5: memref<25600xi32, #tpu.memory_space<vmem>>, %arg6: memref<256x64xf32, #tpu.memory_space<vmem>>, %arg7: memref<256x64xf32, #tpu.memory_space<vmem>>, %arg8: memref<256x64xf32, #tpu.memory_space<vmem>>, %arg9: memref<256x64xf32, #tpu.memory_space<vmem>>, %arg10: memref<!tpu.dma_semaphore, #tpu.memory_space<semaphore_mem>>, %arg11: memref<!tpu.dma_semaphore, #tpu.memory_space<semaphore_mem>>, %arg12: memref<!tpu.dma_semaphore, #tpu.memory_space<semaphore_mem>>, %arg13: memref<!tpu.dma_semaphore, #tpu.memory_space<semaphore_mem>>) attributes {dimension_semantics = [#tpu.dimension_semantics<core_parallel>, #tpu.dimension_semantics<subcore_parallel>], iteration_bounds = array<i64: 2, 16>, scalar_prefetch = 0 : i64, scratch_operands = 9 : i64, tpu.core_type = #tpu.core_type<sc_vector_subcore>, window_params = [{transform_indices = #map}, {transform_indices = #map1}, {transform_indices = #map1}]} {
    %mul3A = arith.constant 2 : i32
    %mul3A_0 = arith.muli %arg1, %mul3A : i32
    %add3A = arith.addi %mul3A_0, %arg0 : i32
    %mul3A_1 = arith.constant 25600 : i32
    %mul3A_2 = arith.muli %add3A, %mul3A_1 : i32
    "tpu.region"() ({
      %run_scoped3A = tpu.sem_alloc : memref<!tpu.dma_semaphore, #tpu.memory_space<semaphore_mem>>
      %dma_start3A_37 = tpu.memref_slice %arg2[%mul3A_2] : memref<819200xi32, #tpu.memory_space<hbm>> -> memref<25600xi32, #tpu.memory_space<hbm>>
      %dma_start3A_38 = tpu.memref_slice %arg2[%mul3A_2] : memref<819200xi32, #tpu.memory_space<hbm>> -> memref<25600xi32, #tpu.memory_space<hbm>>
      tpu.enqueue_dma source(%dma_start3A_38 : memref<25600xi32, #tpu.memory_space<hbm>>) target(%arg5 : memref<25600xi32, #tpu.memory_space<vmem>>) target_semaphore(%run_scoped3A : memref<!tpu.dma_semaphore, #tpu.memory_space<semaphore_mem>>)
      %dma_wait3A_39 = tpu.memref_slice %arg2[%mul3A_2] : memref<819200xi32, #tpu.memory_space<hbm>> -> memref<25600xi32, #tpu.memory_space<hbm>>
      %dma_wait3A_40 = tpu.memref_slice %arg2[%mul3A_2] : memref<819200xi32, #tpu.memory_space<hbm>> -> memref<25600xi32, #tpu.memory_space<hbm>>
      tpu.wait_dma2 semaphore(%run_scoped3A : memref<!tpu.dma_semaphore, #tpu.memory_space<semaphore_mem>>) src(%dma_wait3A_40 : memref<25600xi32, #tpu.memory_space<hbm>>) dst(%arg5 : memref<25600xi32, #tpu.memory_space<vmem>>)
      tpu.yield
    }) : () -> ()
    %dma_start3A = arith.constant 0 : i32
    %dma_start3A_3 = tpu.memref_slice %arg5[%dma_start3A] : memref<25600xi32, #tpu.memory_space<vmem>> -> memref<256xi32, #tpu.memory_space<vmem>>
    %dma_start3A_4 = arith.constant 0 : i32
    %dma_start3A_5 = arith.constant 0 : i32
    %dma_start3A_6 = tpu.memref_slice %arg3[%dma_start3A_4, %dma_start3A_5] : memref<1000000x64xf32, #tpu.memory_space<hbm>> -> memref<1000000x64xf32, #tpu.memory_space<hbm>>
    tpu.enqueue_indirect_dma source(%dma_start3A_6 : memref<1000000x64xf32, #tpu.memory_space<hbm>>) target(%arg6 : memref<256x64xf32, #tpu.memory_space<vmem>>) offsets(%dma_start3A_3 : memref<256xi32, #tpu.memory_space<vmem>>) semaphore(%arg10 : memref<!tpu.dma_semaphore, #tpu.memory_space<semaphore_mem>>)
    %dma_start3A_7 = arith.constant 256 : i32
    %dma_start3A_8 = tpu.memref_slice %arg5[%dma_start3A_7] : memref<25600xi32, #tpu.memory_space<vmem>> -> memref<256xi32, #tpu.memory_space<vmem>>
    %dma_start3A_9 = arith.constant 0 : i32
    %dma_start3A_10 = arith.constant 0 : i32
    %dma_start3A_11 = tpu.memref_slice %arg3[%dma_start3A_9, %dma_start3A_10] : memref<1000000x64xf32, #tpu.memory_space<hbm>> -> memref<1000000x64xf32, #tpu.memory_space<hbm>>
    tpu.enqueue_indirect_dma source(%dma_start3A_11 : memref<1000000x64xf32, #tpu.memory_space<hbm>>) target(%arg7 : memref<256x64xf32, #tpu.memory_space<vmem>>) offsets(%dma_start3A_8 : memref<256xi32, #tpu.memory_space<vmem>>) semaphore(%arg11 : memref<!tpu.dma_semaphore, #tpu.memory_space<semaphore_mem>>)
    %dma_start3A_12 = arith.constant 512 : i32
    %dma_start3A_13 = tpu.memref_slice %arg5[%dma_start3A_12] : memref<25600xi32, #tpu.memory_space<vmem>> -> memref<256xi32, #tpu.memory_space<vmem>>
    %dma_start3A_14 = arith.constant 0 : i32
    %dma_start3A_15 = arith.constant 0 : i32
    %dma_start3A_16 = tpu.memref_slice %arg3[%dma_start3A_14, %dma_start3A_15] : memref<1000000x64xf32, #tpu.memory_space<hbm>> -> memref<1000000x64xf32, #tpu.memory_space<hbm>>
    tpu.enqueue_indirect_dma source(%dma_start3A_16 : memref<1000000x64xf32, #tpu.memory_space<hbm>>) target(%arg8 : memref<256x64xf32, #tpu.memory_space<vmem>>) offsets(%dma_start3A_13 : memref<256xi32, #tpu.memory_space<vmem>>) semaphore(%arg12 : memref<!tpu.dma_semaphore, #tpu.memory_space<semaphore_mem>>)
    %scan3A = arith.constant 0 : i32
    %scan3A_17 = arith.constant 0 : i32
    %scan3A_18 = arith.constant 25 : i32
    %scan3A_19 = arith.addi %scan3A_17, %scan3A_18 : i32
    %scan3A_20 = arith.constant 1 : i32
    scf.for %scan3A_37 = %scan3A_17 to %scan3A_19 step %scan3A_20  : i32 {
      %mul3A_38 = arith.constant 4 : i32
      %mul3A_39 = arith.muli %scan3A_37, %mul3A_38 : i32
      %add3A_40 = arith.constant 0 : i32
      %add3A_41 = arith.addi %mul3A_39, %add3A_40 : i32
      %mul3A_42 = arith.constant 256 : i32
      %mul3A_43 = arith.muli %add3A_41, %mul3A_42 : i32
      %dma_wait3A_44 = tpu.memref_slice %arg5[%mul3A_43] : memref<25600xi32, #tpu.memory_space<vmem>> -> memref<256xi32, #tpu.memory_space<vmem>>
      %dma_wait3A_45 = arith.constant 0 : i32
      %dma_wait3A_46 = arith.constant 0 : i32
      %dma_wait3A_47 = tpu.memref_slice %arg3[%dma_wait3A_45, %dma_wait3A_46] : memref<1000000x64xf32, #tpu.memory_space<hbm>> -> memref<1000000x64xf32, #tpu.memory_space<hbm>>
      tpu.wait_indirect_dma semaphore(%arg10 : memref<!tpu.dma_semaphore, #tpu.memory_space<semaphore_mem>>) src(%dma_wait3A_47 : memref<1000000x64xf32, #tpu.memory_space<hbm>>) dst(%arg6 : memref<256x64xf32, #tpu.memory_space<vmem>>)
      %parallel_loop3A = arith.constant 0 : i32
      %parallel_loop3A_48 = arith.constant 256 : i32
      %parallel_loop3A_49 = arith.constant 1 : i32
      scf.for %parallel_loop3A_149 = %parallel_loop3A to %parallel_loop3A_48 step %parallel_loop3A_49  : i32 {
        %parallel_loop3A_150 = arith.index_cast %parallel_loop3A_149 : i32 to index
        %parallel_loop3A_151 = arith.constant 0 : index
        %parallel_loop3A_152 = tpu.vector_load %arg6[%parallel_loop3A_150, %parallel_loop3A_151] {strides = array<i32>} : memref<256x64xf32, #tpu.memory_space<vmem>>, vector<1x16xf32>,
        %parallel_loop3A_153 = vector.shape_cast %parallel_loop3A_152 : vector<1x16xf32> to vector<16xf32>
        %parallel_loop3A_154 = arith.constant 8.000000e+00 : f32
        %parallel_loop3A_155 = vector.broadcast %parallel_loop3A_154 : f32 to vector<16xf32>
        %parallel_loop3A_156 = arith.mulf %parallel_loop3A_153, %parallel_loop3A_155 : vector<16xf32>
        %parallel_loop3A_157 = arith.index_cast %parallel_loop3A_149 : i32 to index
        %parallel_loop3A_158 = arith.constant 0 : index
        %parallel_loop3A_159 = tpu.vector_load %arg6[%parallel_loop3A_157, %parallel_loop3A_158] {strides = array<i32>} : memref<256x64xf32, #tpu.memory_space<vmem>>, vector<1x16xf32>,
        %parallel_loop3A_160 = vector.shape_cast %parallel_loop3A_159 : vector<1x16xf32> to vector<16xf32>
        %parallel_loop3A_161 = vector.shape_cast %parallel_loop3A_156 : vector<16xf32> to vector<1x16xf32>
        tpu.vector_store %arg6[%parallel_loop3A_157, %parallel_loop3A_158], %parallel_loop3A_161 {strides = array<i32>} : memref<256x64xf32, #tpu.memory_space<vmem>>, vector<1x16xf32>,
        %parallel_loop3A_162 = arith.index_cast %parallel_loop3A_149 : i32 to index
        %parallel_loop3A_163 = arith.constant 16 : index
        %parallel_loop3A_164 = tpu.vector_load %arg6[%parallel_loop3A_162, %parallel_loop3A_163] {strides = array<i32>} : memref<256x64xf32, #tpu.memory_space<vmem>>, vector<1x16xf32>,
        %parallel_loop3A_165 = vector.shape_cast %parallel_loop3A_164 : vector<1x16xf32> to vector<16xf32>
        %parallel_loop3A_166 = arith.constant 8.000000e+00 : f32
        %parallel_loop3A_167 = vector.broadcast %parallel_loop3A_166 : f32 to vector<16xf32>
        %parallel_loop3A_168 = arith.mulf %parallel_loop3A_165, %parallel_loop3A_167 : vector<16xf32>
        %parallel_loop3A_169 = arith.index_cast %parallel_loop3A_149 : i32 to index
        %parallel_loop3A_170 = arith.constant 16 : index
        %parallel_loop3A_171 = tpu.vector_load %arg6[%parallel_loop3A_169, %parallel_loop3A_170] {strides = array<i32>} : memref<256x64xf32, #tpu.memory_space<vmem>>, vector<1x16xf32>,
        %parallel_loop3A_172 = vector.shape_cast %parallel_loop3A_171 : vector<1x16xf32> to vector<16xf32>
        %parallel_loop3A_173 = vector.shape_cast %parallel_loop3A_168 : vector<16xf32> to vector<1x16xf32>
        tpu.vector_store %arg6[%parallel_loop3A_169, %parallel_loop3A_170], %parallel_loop3A_173 {strides = array<i32>} : memref<256x64xf32, #tpu.memory_space<vmem>>, vector<1x16xf32>,
        %parallel_loop3A_174 = arith.index_cast %parallel_loop3A_149 : i32 to index
        %parallel_loop3A_175 = arith.constant 32 : index
        %parallel_loop3A_176 = tpu.vector_load %arg6[%parallel_loop3A_174, %parallel_loop3A_175] {strides = array<i32>} : memref<256x64xf32, #tpu.memory_space<vmem>>, vector<1x16xf32>,
        %parallel_loop3A_177 = vector.shape_cast %parallel_loop3A_176 : vector<1x16xf32> to vector<16xf32>
        %parallel_loop3A_178 = arith.constant 8.000000e+00 : f32
        %parallel_loop3A_179 = vector.broadcast %parallel_loop3A_178 : f32 to vector<16xf32>
        %parallel_loop3A_180 = arith.mulf %parallel_loop3A_177, %parallel_loop3A_179 : vector<16xf32>
        %parallel_loop3A_181 = arith.index_cast %parallel_loop3A_149 : i32 to index
        %parallel_loop3A_182 = arith.constant 32 : index
        %parallel_loop3A_183 = tpu.vector_load %arg6[%parallel_loop3A_181, %parallel_loop3A_182] {strides = array<i32>} : memref<256x64xf32, #tpu.memory_space<vmem>>, vector<1x16xf32>,
        %parallel_loop3A_184 = vector.shape_cast %parallel_loop3A_183 : vector<1x16xf32> to vector<16xf32>
        %parallel_loop3A_185 = vector.shape_cast %parallel_loop3A_180 : vector<16xf32> to vector<1x16xf32>
        tpu.vector_store %arg6[%parallel_loop3A_181, %parallel_loop3A_182], %parallel_loop3A_185 {strides = array<i32>} : memref<256x64xf32, #tpu.memory_space<vmem>>, vector<1x16xf32>,
        %parallel_loop3A_186 = arith.index_cast %parallel_loop3A_149 : i32 to index
        %parallel_loop3A_187 = arith.constant 48 : index
        %parallel_loop3A_188 = tpu.vector_load %arg6[%parallel_loop3A_186, %parallel_loop3A_187] {strides = array<i32>} : memref<256x64xf32, #tpu.memory_space<vmem>>, vector<1x16xf32>,
        %parallel_loop3A_189 = vector.shape_cast %parallel_loop3A_188 : vector<1x16xf32> to vector<16xf32>
        %parallel_loop3A_190 = arith.constant 8.000000e+00 : f32
        %parallel_loop3A_191 = vector.broadcast %parallel_loop3A_190 : f32 to vector<16xf32>
        %parallel_loop3A_192 = arith.mulf %parallel_loop3A_189, %parallel_loop3A_191 : vector<16xf32>
        %parallel_loop3A_193 = arith.index_cast %parallel_loop3A_149 : i32 to index
        %parallel_loop3A_194 = arith.constant 48 : index
        %parallel_loop3A_195 = tpu.vector_load %arg6[%parallel_loop3A_193, %parallel_loop3A_194] {strides = array<i32>} : memref<256x64xf32, #tpu.memory_space<vmem>>, vector<1x16xf32>,
        %parallel_loop3A_196 = vector.shape_cast %parallel_loop3A_195 : vector<1x16xf32> to vector<16xf32>
        %parallel_loop3A_197 = vector.shape_cast %parallel_loop3A_192 : vector<16xf32> to vector<1x16xf32>
        tpu.vector_store %arg6[%parallel_loop3A_193, %parallel_loop3A_194], %parallel_loop3A_197 {strides = array<i32>} : memref<256x64xf32, #tpu.memory_space<vmem>>, vector<1x16xf32>,
      } {sc.loop_unroll_factor = 8 : i64, sc.parallel_access}
      %mul3A_50 = arith.constant 256 : i32
      %mul3A_51 = arith.muli %add3A_41, %mul3A_50 : i32
      %add3A_52 = arith.addi %mul3A_2, %mul3A_51 : i32
      %dma_start3A_53 = arith.constant 0 : i32
      %dma_start3A_54 = tpu.memref_slice %arg4[%add3A_52, %dma_start3A_53] : memref<819200x64xf32, #tpu.memory_space<hbm>> -> memref<256x64xf32, #tpu.memory_space<hbm>>
      %dma_start3A_55 = arith.constant 0 : i32
      %dma_start3A_56 = tpu.memref_slice %arg4[%add3A_52, %dma_start3A_55] : memref<819200x64xf32, #tpu.memory_space<hbm>> -> memref<256x64xf32, #tpu.memory_space<hbm>>
      tpu.enqueue_dma source(%arg6 : memref<256x64xf32, #tpu.memory_space<vmem>>) target(%dma_start3A_56 : memref<256x64xf32, #tpu.memory_space<hbm>>) target_semaphore(%arg10 : memref<!tpu.dma_semaphore, #tpu.memory_space<semaphore_mem>>)
      %add3A_57 = arith.constant 4 : i32
      %add3A_58 = arith.addi %add3A_41, %add3A_57 : i32
      %sub3A = arith.constant 1 : i32
      %sub3A_59 = arith.subi %add3A_58, %sub3A : i32
      %lt3A = arith.constant 100 : i32
      %lt3A_60 = arith.cmpi slt, %sub3A_59, %lt3A : i32
      %convert_element_type3A = arith.extui %lt3A_60 : i1 to i32
      %cond3A = arith.constant 0 : i32
      %cond3A_61 = arith.cmpi ne, %convert_element_type3A, %cond3A : i32
      scf.if %cond3A_61 {
        %gt3A = arith.constant 0 : i32
        %gt3A_149 = arith.cmpi sgt, %add3A_41, %gt3A : i32
        %convert_element_type3A_150 = arith.extui %gt3A_149 : i1 to i32
        %cond3A_151 = arith.constant 0 : i32
        %cond3A_152 = arith.cmpi ne, %convert_element_type3A_150, %cond3A_151 : i32
        scf.if %cond3A_152 {
          %dma_wait3A_159 = arith.constant 0 : i32
          %dma_wait3A_160 = tpu.memref_slice %arg4[%mul3A_2, %dma_wait3A_159] : memref<819200x64xf32, #tpu.memory_space<hbm>> -> memref<256x64xf32, #tpu.memory_space<hbm>>
          %dma_wait3A_161 = arith.constant 0 : i32
          %dma_wait3A_162 = tpu.memref_slice %arg4[%mul3A_2, %dma_wait3A_161] : memref<819200x64xf32, #tpu.memory_space<hbm>> -> memref<256x64xf32, #tpu.memory_space<hbm>>
          tpu.wait_dma2 semaphore(%arg13 : memref<!tpu.dma_semaphore, #tpu.memory_space<semaphore_mem>>) src(%arg9 : memref<256x64xf32, #tpu.memory_space<vmem>>) dst(%dma_wait3A_162 : memref<256x64xf32, #tpu.memory_space<hbm>>)
        } else {
        }
        %mul3A_153 = arith.constant 256 : i32
        %mul3A_154 = arith.muli %sub3A_59, %mul3A_153 : i32
        %dma_start3A_155 = tpu.memref_slice %arg5[%mul3A_154] : memref<25600xi32, #tpu.memory_space<vmem>> -> memref<256xi32, #tpu.memory_space<vmem>>
        %dma_start3A_156 = arith.constant 0 : i32
        %dma_start3A_157 = arith.constant 0 : i32
        %dma_start3A_158 = tpu.memref_slice %arg3[%dma_start3A_156, %dma_start3A_157] : memref<1000000x64xf32, #tpu.memory_space<hbm>> -> memref<1000000x64xf32, #tpu.memory_space<hbm>>
        tpu.enqueue_indirect_dma source(%dma_start3A_158 : memref<1000000x64xf32, #tpu.memory_space<hbm>>) target(%arg9 : memref<256x64xf32, #tpu.memory_space<vmem>>) offsets(%dma_start3A_155 : memref<256xi32, #tpu.memory_space<vmem>>) semaphore(%arg13 : memref<!tpu.dma_semaphore, #tpu.memory_space<semaphore_mem>>)
      } else {
      }
      %mul3A_62 = arith.constant 4 : i32
      %mul3A_63 = arith.muli %scan3A_37, %mul3A_62 : i32
      %add3A_64 = arith.constant 1 : i32
      %add3A_65 = arith.addi %mul3A_63, %add3A_64 : i32
      %mul3A_66 = arith.constant 256 : i32
      %mul3A_67 = arith.muli %add3A_65, %mul3A_66 : i32
      %dma_wait3A_68 = tpu.memref_slice %arg5[%mul3A_67] : memref<25600xi32, #tpu.memory_space<vmem>> -> memref<256xi32, #tpu.memory_space<vmem>>
      %dma_wait3A_69 = arith.constant 0 : i32
      %dma_wait3A_70 = arith.constant 0 : i32
      %dma_wait3A_71 = tpu.memref_slice %arg3[%dma_wait3A_69, %dma_wait3A_70] : memref<1000000x64xf32, #tpu.memory_space<hbm>> -> memref<1000000x64xf32, #tpu.memory_space<hbm>>
      tpu.wait_indirect_dma semaphore(%arg11 : memref<!tpu.dma_semaphore, #tpu.memory_space<semaphore_mem>>) src(%dma_wait3A_71 : memref<1000000x64xf32, #tpu.memory_space<hbm>>) dst(%arg7 : memref<256x64xf32, #tpu.memory_space<vmem>>)
      %parallel_loop3A_72 = arith.constant 0 : i32
      %parallel_loop3A_73 = arith.constant 256 : i32
      %parallel_loop3A_74 = arith.constant 1 : i32
      scf.for %parallel_loop3A_149 = %parallel_loop3A_72 to %parallel_loop3A_73 step %parallel_loop3A_74  : i32 {
        %parallel_loop3A_150 = arith.index_cast %parallel_loop3A_149 : i32 to index
        %parallel_loop3A_151 = arith.constant 0 : index
        %parallel_loop3A_152 = tpu.vector_load %arg7[%parallel_loop3A_150, %parallel_loop3A_151] {strides = array<i32>} : memref<256x64xf32, #tpu.memory_space<vmem>>, vector<1x16xf32>,
        %parallel_loop3A_153 = vector.shape_cast %parallel_loop3A_152 : vector<1x16xf32> to vector<16xf32>
        %parallel_loop3A_154 = arith.constant 8.000000e+00 : f32
        %parallel_loop3A_155 = vector.broadcast %parallel_loop3A_154 : f32 to vector<16xf32>
        %parallel_loop3A_156 = arith.mulf %parallel_loop3A_153, %parallel_loop3A_155 : vector<16xf32>
        %parallel_loop3A_157 = arith.index_cast %parallel_loop3A_149 : i32 to index
        %parallel_loop3A_158 = arith.constant 0 : index
        %parallel_loop3A_159 = tpu.vector_load %arg7[%parallel_loop3A_157, %parallel_loop3A_158] {strides = array<i32>} : memref<256x64xf32, #tpu.memory_space<vmem>>, vector<1x16xf32>,
        %parallel_loop3A_160 = vector.shape_cast %parallel_loop3A_159 : vector<1x16xf32> to vector<16xf32>
        %parallel_loop3A_161 = vector.shape_cast %parallel_loop3A_156 : vector<16xf32> to vector<1x16xf32>
        tpu.vector_store %arg7[%parallel_loop3A_157, %parallel_loop3A_158], %parallel_loop3A_161 {strides = array<i32>} : memref<256x64xf32, #tpu.memory_space<vmem>>, vector<1x16xf32>,
        %parallel_loop3A_162 = arith.index_cast %parallel_loop3A_149 : i32 to index
        %parallel_loop3A_163 = arith.constant 16 : index
        %parallel_loop3A_164 = tpu.vector_load %arg7[%parallel_loop3A_162, %parallel_loop3A_163] {strides = array<i32>} : memref<256x64xf32, #tpu.memory_space<vmem>>, vector<1x16xf32>,
        %parallel_loop3A_165 = vector.shape_cast %parallel_loop3A_164 : vector<1x16xf32> to vector<16xf32>
        %parallel_loop3A_166 = arith.constant 8.000000e+00 : f32
        %parallel_loop3A_167 = vector.broadcast %parallel_loop3A_166 : f32 to vector<16xf32>
        %parallel_loop3A_168 = arith.mulf %parallel_loop3A_165, %parallel_loop3A_167 : vector<16xf32>
        %parallel_loop3A_169 = arith.index_cast %parallel_loop3A_149 : i32 to index
        %parallel_loop3A_170 = arith.constant 16 : index
        %parallel_loop3A_171 = tpu.vector_load %arg7[%parallel_loop3A_169, %parallel_loop3A_170] {strides = array<i32>} : memref<256x64xf32, #tpu.memory_space<vmem>>, vector<1x16xf32>,
        %parallel_loop3A_172 = vector.shape_cast %parallel_loop3A_171 : vector<1x16xf32> to vector<16xf32>
        %parallel_loop3A_173 = vector.shape_cast %parallel_loop3A_168 : vector<16xf32> to vector<1x16xf32>
        tpu.vector_store %arg7[%parallel_loop3A_169, %parallel_loop3A_170], %parallel_loop3A_173 {strides = array<i32>} : memref<256x64xf32, #tpu.memory_space<vmem>>, vector<1x16xf32>,
        %parallel_loop3A_174 = arith.index_cast %parallel_loop3A_149 : i32 to index
        %parallel_loop3A_175 = arith.constant 32 : index
        %parallel_loop3A_176 = tpu.vector_load %arg7[%parallel_loop3A_174, %parallel_loop3A_175] {strides = array<i32>} : memref<256x64xf32, #tpu.memory_space<vmem>>, vector<1x16xf32>,
        %parallel_loop3A_177 = vector.shape_cast %parallel_loop3A_176 : vector<1x16xf32> to vector<16xf32>
        %parallel_loop3A_178 = arith.constant 8.000000e+00 : f32
        %parallel_loop3A_179 = vector.broadcast %parallel_loop3A_178 : f32 to vector<16xf32>
        %parallel_loop3A_180 = arith.mulf %parallel_loop3A_177, %parallel_loop3A_179 : vector<16xf32>
        %parallel_loop3A_181 = arith.index_cast %parallel_loop3A_149 : i32 to index
        %parallel_loop3A_182 = arith.constant 32 : index
        %parallel_loop3A_183 = tpu.vector_load %arg7[%parallel_loop3A_181, %parallel_loop3A_182] {strides = array<i32>} : memref<256x64xf32, #tpu.memory_space<vmem>>, vector<1x16xf32>,
        %parallel_loop3A_184 = vector.shape_cast %parallel_loop3A_183 : vector<1x16xf32> to vector<16xf32>
        %parallel_loop3A_185 = vector.shape_cast %parallel_loop3A_180 : vector<16xf32> to vector<1x16xf32>
        tpu.vector_store %arg7[%parallel_loop3A_181, %parallel_loop3A_182], %parallel_loop3A_185 {strides = array<i32>} : memref<256x64xf32, #tpu.memory_space<vmem>>, vector<1x16xf32>,
        %parallel_loop3A_186 = arith.index_cast %parallel_loop3A_149 : i32 to index
        %parallel_loop3A_187 = arith.constant 48 : index
        %parallel_loop3A_188 = tpu.vector_load %arg7[%parallel_loop3A_186, %parallel_loop3A_187] {strides = array<i32>} : memref<256x64xf32, #tpu.memory_space<vmem>>, vector<1x16xf32>,
        %parallel_loop3A_189 = vector.shape_cast %parallel_loop3A_188 : vector<1x16xf32> to vector<16xf32>
        %parallel_loop3A_190 = arith.constant 8.000000e+00 : f32
        %parallel_loop3A_191 = vector.broadcast %parallel_loop3A_190 : f32 to vector<16xf32>
        %parallel_loop3A_192 = arith.mulf %parallel_loop3A_189, %parallel_loop3A_191 : vector<16xf32>
        %parallel_loop3A_193 = arith.index_cast %parallel_loop3A_149 : i32 to index
        %parallel_loop3A_194 = arith.constant 48 : index
        %parallel_loop3A_195 = tpu.vector_load %arg7[%parallel_loop3A_193, %parallel_loop3A_194] {strides = array<i32>} : memref<256x64xf32, #tpu.memory_space<vmem>>, vector<1x16xf32>,
        %parallel_loop3A_196 = vector.shape_cast %parallel_loop3A_195 : vector<1x16xf32> to vector<16xf32>
        %parallel_loop3A_197 = vector.shape_cast %parallel_loop3A_192 : vector<16xf32> to vector<1x16xf32>
        tpu.vector_store %arg7[%parallel_loop3A_193, %parallel_loop3A_194], %parallel_loop3A_197 {strides = array<i32>} : memref<256x64xf32, #tpu.memory_space<vmem>>, vector<1x16xf32>,
      } {sc.loop_unroll_factor = 8 : i64, sc.parallel_access}
      %mul3A_75 = arith.constant 256 : i32
      %mul3A_76 = arith.muli %add3A_65, %mul3A_75 : i32
      %add3A_77 = arith.addi %mul3A_2, %mul3A_76 : i32
      %dma_start3A_78 = arith.constant 0 : i32
      %dma_start3A_79 = tpu.memref_slice %arg4[%add3A_77, %dma_start3A_78] : memref<819200x64xf32, #tpu.memory_space<hbm>> -> memref<256x64xf32, #tpu.memory_space<hbm>>
      %dma_start3A_80 = arith.constant 0 : i32
      %dma_start3A_81 = tpu.memref_slice %arg4[%add3A_77, %dma_start3A_80] : memref<819200x64xf32, #tpu.memory_space<hbm>> -> memref<256x64xf32, #tpu.memory_space<hbm>>
      tpu.enqueue_dma source(%arg7 : memref<256x64xf32, #tpu.memory_space<vmem>>) target(%dma_start3A_81 : memref<256x64xf32, #tpu.memory_space<hbm>>) target_semaphore(%arg11 : memref<!tpu.dma_semaphore, #tpu.memory_space<semaphore_mem>>)
      %add3A_82 = arith.constant 4 : i32
      %add3A_83 = arith.addi %add3A_65, %add3A_82 : i32
      %sub3A_84 = arith.constant 1 : i32
      %sub3A_85 = arith.subi %add3A_83, %sub3A_84 : i32
      %lt3A_86 = arith.constant 100 : i32
      %lt3A_87 = arith.cmpi slt, %sub3A_85, %lt3A_86 : i32
      %convert_element_type3A_88 = arith.extui %lt3A_87 : i1 to i32
      %cond3A_89 = arith.constant 0 : i32
      %cond3A_90 = arith.cmpi ne, %convert_element_type3A_88, %cond3A_89 : i32
      scf.if %cond3A_90 {
        %gt3A = arith.constant 0 : i32
        %gt3A_149 = arith.cmpi sgt, %add3A_65, %gt3A : i32
        %convert_element_type3A_150 = arith.extui %gt3A_149 : i1 to i32
        %cond3A_151 = arith.constant 0 : i32
        %cond3A_152 = arith.cmpi ne, %convert_element_type3A_150, %cond3A_151 : i32
        scf.if %cond3A_152 {
          %dma_wait3A_159 = arith.constant 0 : i32
          %dma_wait3A_160 = tpu.memref_slice %arg4[%mul3A_2, %dma_wait3A_159] : memref<819200x64xf32, #tpu.memory_space<hbm>> -> memref<256x64xf32, #tpu.memory_space<hbm>>
          %dma_wait3A_161 = arith.constant 0 : i32
          %dma_wait3A_162 = tpu.memref_slice %arg4[%mul3A_2, %dma_wait3A_161] : memref<819200x64xf32, #tpu.memory_space<hbm>> -> memref<256x64xf32, #tpu.memory_space<hbm>>
          tpu.wait_dma2 semaphore(%arg10 : memref<!tpu.dma_semaphore, #tpu.memory_space<semaphore_mem>>) src(%arg6 : memref<256x64xf32, #tpu.memory_space<vmem>>) dst(%dma_wait3A_162 : memref<256x64xf32, #tpu.memory_space<hbm>>)
        } else {
        }
        %mul3A_153 = arith.constant 256 : i32
        %mul3A_154 = arith.muli %sub3A_85, %mul3A_153 : i32
        %dma_start3A_155 = tpu.memref_slice %arg5[%mul3A_154] : memref<25600xi32, #tpu.memory_space<vmem>> -> memref<256xi32, #tpu.memory_space<vmem>>
        %dma_start3A_156 = arith.constant 0 : i32
        %dma_start3A_157 = arith.constant 0 : i32
        %dma_start3A_158 = tpu.memref_slice %arg3[%dma_start3A_156, %dma_start3A_157] : memref<1000000x64xf32, #tpu.memory_space<hbm>> -> memref<1000000x64xf32, #tpu.memory_space<hbm>>
        tpu.enqueue_indirect_dma source(%dma_start3A_158 : memref<1000000x64xf32, #tpu.memory_space<hbm>>) target(%arg6 : memref<256x64xf32, #tpu.memory_space<vmem>>) offsets(%dma_start3A_155 : memref<256xi32, #tpu.memory_space<vmem>>) semaphore(%arg10 : memref<!tpu.dma_semaphore, #tpu.memory_space<semaphore_mem>>)
      } else {
      }
      %mul3A_91 = arith.constant 4 : i32
      %mul3A_92 = arith.muli %scan3A_37, %mul3A_91 : i32
      %add3A_93 = arith.constant 2 : i32
      %add3A_94 = arith.addi %mul3A_92, %add3A_93 : i32
      %mul3A_95 = arith.constant 256 : i32
      %mul3A_96 = arith.muli %add3A_94, %mul3A_95 : i32
      %dma_wait3A_97 = tpu.memref_slice %arg5[%mul3A_96] : memref<25600xi32, #tpu.memory_space<vmem>> -> memref<256xi32, #tpu.memory_space<vmem>>
      %dma_wait3A_98 = arith.constant 0 : i32
      %dma_wait3A_99 = arith.constant 0 : i32
      %dma_wait3A_100 = tpu.memref_slice %arg3[%dma_wait3A_98, %dma_wait3A_99] : memref<1000000x64xf32, #tpu.memory_space<hbm>> -> memref<1000000x64xf32, #tpu.memory_space<hbm>>
      tpu.wait_indirect_dma semaphore(%arg12 : memref<!tpu.dma_semaphore, #tpu.memory_space<semaphore_mem>>) src(%dma_wait3A_100 : memref<1000000x64xf32, #tpu.memory_space<hbm>>) dst(%arg8 : memref<256x64xf32, #tpu.memory_space<vmem>>)
      %parallel_loop3A_101 = arith.constant 0 : i32
      %parallel_loop3A_102 = arith.constant 256 : i32
      %parallel_loop3A_103 = arith.constant 1 : i32
      scf.for %parallel_loop3A_149 = %parallel_loop3A_101 to %parallel_loop3A_102 step %parallel_loop3A_103  : i32 {
        %parallel_loop3A_150 = arith.index_cast %parallel_loop3A_149 : i32 to index
        %parallel_loop3A_151 = arith.constant 0 : index
        %parallel_loop3A_152 = tpu.vector_load %arg8[%parallel_loop3A_150, %parallel_loop3A_151] {strides = array<i32>} : memref<256x64xf32, #tpu.memory_space<vmem>>, vector<1x16xf32>,
        %parallel_loop3A_153 = vector.shape_cast %parallel_loop3A_152 : vector<1x16xf32> to vector<16xf32>
        %parallel_loop3A_154 = arith.constant 8.000000e+00 : f32
        %parallel_loop3A_155 = vector.broadcast %parallel_loop3A_154 : f32 to vector<16xf32>
        %parallel_loop3A_156 = arith.mulf %parallel_loop3A_153, %parallel_loop3A_155 : vector<16xf32>
        %parallel_loop3A_157 = arith.index_cast %parallel_loop3A_149 : i32 to index
        %parallel_loop3A_158 = arith.constant 0 : index
        %parallel_loop3A_159 = tpu.vector_load %arg8[%parallel_loop3A_157, %parallel_loop3A_158] {strides = array<i32>} : memref<256x64xf32, #tpu.memory_space<vmem>>, vector<1x16xf32>,
        %parallel_loop3A_160 = vector.shape_cast %parallel_loop3A_159 : vector<1x16xf32> to vector<16xf32>
        %parallel_loop3A_161 = vector.shape_cast %parallel_loop3A_156 : vector<16xf32> to vector<1x16xf32>
        tpu.vector_store %arg8[%parallel_loop3A_157, %parallel_loop3A_158], %parallel_loop3A_161 {strides = array<i32>} : memref<256x64xf32, #tpu.memory_space<vmem>>, vector<1x16xf32>,
        %parallel_loop3A_162 = arith.index_cast %parallel_loop3A_149 : i32 to index
        %parallel_loop3A_163 = arith.constant 16 : index
        %parallel_loop3A_164 = tpu.vector_load %arg8[%parallel_loop3A_162, %parallel_loop3A_163] {strides = array<i32>} : memref<256x64xf32, #tpu.memory_space<vmem>>, vector<1x16xf32>,
        %parallel_loop3A_165 = vector.shape_cast %parallel_loop3A_164 : vector<1x16xf32> to vector<16xf32>
        %parallel_loop3A_166 = arith.constant 8.000000e+00 : f32
        %parallel_loop3A_167 = vector.broadcast %parallel_loop3A_166 : f32 to vector<16xf32>
        %parallel_loop3A_168 = arith.mulf %parallel_loop3A_165, %parallel_loop3A_167 : vector<16xf32>
        %parallel_loop3A_169 = arith.index_cast %parallel_loop3A_149 : i32 to index
        %parallel_loop3A_170 = arith.constant 16 : index
        %parallel_loop3A_171 = tpu.vector_load %arg8[%parallel_loop3A_169, %parallel_loop3A_170] {strides = array<i32>} : memref<256x64xf32, #tpu.memory_space<vmem>>, vector<1x16xf32>,
        %parallel_loop3A_172 = vector.shape_cast %parallel_loop3A_171 : vector<1x16xf32> to vector<16xf32>
        %parallel_loop3A_173 = vector.shape_cast %parallel_loop3A_168 : vector<16xf32> to vector<1x16xf32>
        tpu.vector_store %arg8[%parallel_loop3A_169, %parallel_loop3A_170], %parallel_loop3A_173 {strides = array<i32>} : memref<256x64xf32, #tpu.memory_space<vmem>>, vector<1x16xf32>,
        %parallel_loop3A_174 = arith.index_cast %parallel_loop3A_149 : i32 to index
        %parallel_loop3A_175 = arith.constant 32 : index
        %parallel_loop3A_176 = tpu.vector_load %arg8[%parallel_loop3A_174, %parallel_loop3A_175] {strides = array<i32>} : memref<256x64xf32, #tpu.memory_space<vmem>>, vector<1x16xf32>,
        %parallel_loop3A_177 = vector.shape_cast %parallel_loop3A_176 : vector<1x16xf32> to vector<16xf32>
        %parallel_loop3A_178 = arith.constant 8.000000e+00 : f32
        %parallel_loop3A_179 = vector.broadcast %parallel_loop3A_178 : f32 to vector<16xf32>
        %parallel_loop3A_180 = arith.mulf %parallel_loop3A_177, %parallel_loop3A_179 : vector<16xf32>
        %parallel_loop3A_181 = arith.index_cast %parallel_loop3A_149 : i32 to index
        %parallel_loop3A_182 = arith.constant 32 : index
        %parallel_loop3A_183 = tpu.vector_load %arg8[%parallel_loop3A_181, %parallel_loop3A_182] {strides = array<i32>} : memref<256x64xf32, #tpu.memory_space<vmem>>, vector<1x16xf32>,
        %parallel_loop3A_184 = vector.shape_cast %parallel_loop3A_183 : vector<1x16xf32> to vector<16xf32>
        %parallel_loop3A_185 = vector.shape_cast %parallel_loop3A_180 : vector<16xf32> to vector<1x16xf32>
        tpu.vector_store %arg8[%parallel_loop3A_181, %parallel_loop3A_182], %parallel_loop3A_185 {strides = array<i32>} : memref<256x64xf32, #tpu.memory_space<vmem>>, vector<1x16xf32>,
        %parallel_loop3A_186 = arith.index_cast %parallel_loop3A_149 : i32 to index
        %parallel_loop3A_187 = arith.constant 48 : index
        %parallel_loop3A_188 = tpu.vector_load %arg8[%parallel_loop3A_186, %parallel_loop3A_187] {strides = array<i32>} : memref<256x64xf32, #tpu.memory_space<vmem>>, vector<1x16xf32>,
        %parallel_loop3A_189 = vector.shape_cast %parallel_loop3A_188 : vector<1x16xf32> to vector<16xf32>
        %parallel_loop3A_190 = arith.constant 8.000000e+00 : f32
        %parallel_loop3A_191 = vector.broadcast %parallel_loop3A_190 : f32 to vector<16xf32>
        %parallel_loop3A_192 = arith.mulf %parallel_loop3A_189, %parallel_loop3A_191 : vector<16xf32>
        %parallel_loop3A_193 = arith.index_cast %parallel_loop3A_149 : i32 to index
        %parallel_loop3A_194 = arith.constant 48 : index
        %parallel_loop3A_195 = tpu.vector_load %arg8[%parallel_loop3A_193, %parallel_loop3A_194] {strides = array<i32>} : memref<256x64xf32, #tpu.memory_space<vmem>>, vector<1x16xf32>,
        %parallel_loop3A_196 = vector.shape_cast %parallel_loop3A_195 : vector<1x16xf32> to vector<16xf32>
        %parallel_loop3A_197 = vector.shape_cast %parallel_loop3A_192 : vector<16xf32> to vector<1x16xf32>
        tpu.vector_store %arg8[%parallel_loop3A_193, %parallel_loop3A_194], %parallel_loop3A_197 {strides = array<i32>} : memref<256x64xf32, #tpu.memory_space<vmem>>, vector<1x16xf32>,
      } {sc.loop_unroll_factor = 8 : i64, sc.parallel_access}
      %mul3A_104 = arith.constant 256 : i32
      %mul3A_105 = arith.muli %add3A_94, %mul3A_104 : i32
      %add3A_106 = arith.addi %mul3A_2, %mul3A_105 : i32
      %dma_start3A_107 = arith.constant 0 : i32
      %dma_start3A_108 = tpu.memref_slice %arg4[%add3A_106, %dma_start3A_107] : memref<819200x64xf32, #tpu.memory_space<hbm>> -> memref<256x64xf32, #tpu.memory_space<hbm>>
      %dma_start3A_109 = arith.constant 0 : i32
      %dma_start3A_110 = tpu.memref_slice %arg4[%add3A_106, %dma_start3A_109] : memref<819200x64xf32, #tpu.memory_space<hbm>> -> memref<256x64xf32, #tpu.memory_space<hbm>>
      tpu.enqueue_dma source(%arg8 : memref<256x64xf32, #tpu.memory_space<vmem>>) target(%dma_start3A_110 : memref<256x64xf32, #tpu.memory_space<hbm>>) target_semaphore(%arg12 : memref<!tpu.dma_semaphore, #tpu.memory_space<semaphore_mem>>)
      %add3A_111 = arith.constant 4 : i32
      %add3A_112 = arith.addi %add3A_94, %add3A_111 : i32
      %sub3A_113 = arith.constant 1 : i32
      %sub3A_114 = arith.subi %add3A_112, %sub3A_113 : i32
      %lt3A_115 = arith.constant 100 : i32
      %lt3A_116 = arith.cmpi slt, %sub3A_114, %lt3A_115 : i32
      %convert_element_type3A_117 = arith.extui %lt3A_116 : i1 to i32
      %cond3A_118 = arith.constant 0 : i32
      %cond3A_119 = arith.cmpi ne, %convert_element_type3A_117, %cond3A_118 : i32
      scf.if %cond3A_119 {
        %gt3A = arith.constant 0 : i32
        %gt3A_149 = arith.cmpi sgt, %add3A_94, %gt3A : i32
        %convert_element_type3A_150 = arith.extui %gt3A_149 : i1 to i32
        %cond3A_151 = arith.constant 0 : i32
        %cond3A_152 = arith.cmpi ne, %convert_element_type3A_150, %cond3A_151 : i32
        scf.if %cond3A_152 {
          %dma_wait3A_159 = arith.constant 0 : i32
          %dma_wait3A_160 = tpu.memref_slice %arg4[%mul3A_2, %dma_wait3A_159] : memref<819200x64xf32, #tpu.memory_space<hbm>> -> memref<256x64xf32, #tpu.memory_space<hbm>>
          %dma_wait3A_161 = arith.constant 0 : i32
          %dma_wait3A_162 = tpu.memref_slice %arg4[%mul3A_2, %dma_wait3A_161] : memref<819200x64xf32, #tpu.memory_space<hbm>> -> memref<256x64xf32, #tpu.memory_space<hbm>>
          tpu.wait_dma2 semaphore(%arg11 : memref<!tpu.dma_semaphore, #tpu.memory_space<semaphore_mem>>) src(%arg7 : memref<256x64xf32, #tpu.memory_space<vmem>>) dst(%dma_wait3A_162 : memref<256x64xf32, #tpu.memory_space<hbm>>)
        } else {
        }
        %mul3A_153 = arith.constant 256 : i32
        %mul3A_154 = arith.muli %sub3A_114, %mul3A_153 : i32
        %dma_start3A_155 = tpu.memref_slice %arg5[%mul3A_154] : memref<25600xi32, #tpu.memory_space<vmem>> -> memref<256xi32, #tpu.memory_space<vmem>>
        %dma_start3A_156 = arith.constant 0 : i32
        %dma_start3A_157 = arith.constant 0 : i32
        %dma_start3A_158 = tpu.memref_slice %arg3[%dma_start3A_156, %dma_start3A_157] : memref<1000000x64xf32, #tpu.memory_space<hbm>> -> memref<1000000x64xf32, #tpu.memory_space<hbm>>
        tpu.enqueue_indirect_dma source(%dma_start3A_158 : memref<1000000x64xf32, #tpu.memory_space<hbm>>) target(%arg7 : memref<256x64xf32, #tpu.memory_space<vmem>>) offsets(%dma_start3A_155 : memref<256xi32, #tpu.memory_space<vmem>>) semaphore(%arg11 : memref<!tpu.dma_semaphore, #tpu.memory_space<semaphore_mem>>)
      } else {
      }
      %mul3A_120 = arith.constant 4 : i32
      %mul3A_121 = arith.muli %scan3A_37, %mul3A_120 : i32
      %add3A_122 = arith.constant 3 : i32
      %add3A_123 = arith.addi %mul3A_121, %add3A_122 : i32
      %mul3A_124 = arith.constant 256 : i32
      %mul3A_125 = arith.muli %add3A_123, %mul3A_124 : i32
      %dma_wait3A_126 = tpu.memref_slice %arg5[%mul3A_125] : memref<25600xi32, #tpu.memory_space<vmem>> -> memref<256xi32, #tpu.memory_space<vmem>>
      %dma_wait3A_127 = arith.constant 0 : i32
      %dma_wait3A_128 = arith.constant 0 : i32
      %dma_wait3A_129 = tpu.memref_slice %arg3[%dma_wait3A_127, %dma_wait3A_128] : memref<1000000x64xf32, #tpu.memory_space<hbm>> -> memref<1000000x64xf32, #tpu.memory_space<hbm>>
      tpu.wait_indirect_dma semaphore(%arg13 : memref<!tpu.dma_semaphore, #tpu.memory_space<semaphore_mem>>) src(%dma_wait3A_129 : memref<1000000x64xf32, #tpu.memory_space<hbm>>) dst(%arg9 : memref<256x64xf32, #tpu.memory_space<vmem>>)
      %parallel_loop3A_130 = arith.constant 0 : i32
      %parallel_loop3A_131 = arith.constant 256 : i32
      %parallel_loop3A_132 = arith.constant 1 : i32
      scf.for %parallel_loop3A_149 = %parallel_loop3A_130 to %parallel_loop3A_131 step %parallel_loop3A_132  : i32 {
        %parallel_loop3A_150 = arith.index_cast %parallel_loop3A_149 : i32 to index
        %parallel_loop3A_151 = arith.constant 0 : index
        %parallel_loop3A_152 = tpu.vector_load %arg9[%parallel_loop3A_150, %parallel_loop3A_151] {strides = array<i32>} : memref<256x64xf32, #tpu.memory_space<vmem>>, vector<1x16xf32>,
        %parallel_loop3A_153 = vector.shape_cast %parallel_loop3A_152 : vector<1x16xf32> to vector<16xf32>
        %parallel_loop3A_154 = arith.constant 8.000000e+00 : f32
        %parallel_loop3A_155 = vector.broadcast %parallel_loop3A_154 : f32 to vector<16xf32>
        %parallel_loop3A_156 = arith.mulf %parallel_loop3A_153, %parallel_loop3A_155 : vector<16xf32>
        %parallel_loop3A_157 = arith.index_cast %parallel_loop3A_149 : i32 to index
        %parallel_loop3A_158 = arith.constant 0 : index
        %parallel_loop3A_159 = tpu.vector_load %arg9[%parallel_loop3A_157, %parallel_loop3A_158] {strides = array<i32>} : memref<256x64xf32, #tpu.memory_space<vmem>>, vector<1x16xf32>,
        %parallel_loop3A_160 = vector.shape_cast %parallel_loop3A_159 : vector<1x16xf32> to vector<16xf32>
        %parallel_loop3A_161 = vector.shape_cast %parallel_loop3A_156 : vector<16xf32> to vector<1x16xf32>
        tpu.vector_store %arg9[%parallel_loop3A_157, %parallel_loop3A_158], %parallel_loop3A_161 {strides = array<i32>} : memref<256x64xf32, #tpu.memory_space<vmem>>, vector<1x16xf32>,
        %parallel_loop3A_162 = arith.index_cast %parallel_loop3A_149 : i32 to index
        %parallel_loop3A_163 = arith.constant 16 : index
        %parallel_loop3A_164 = tpu.vector_load %arg9[%parallel_loop3A_162, %parallel_loop3A_163] {strides = array<i32>} : memref<256x64xf32, #tpu.memory_space<vmem>>, vector<1x16xf32>,
        %parallel_loop3A_165 = vector.shape_cast %parallel_loop3A_164 : vector<1x16xf32> to vector<16xf32>
        %parallel_loop3A_166 = arith.constant 8.000000e+00 : f32
        %parallel_loop3A_167 = vector.broadcast %parallel_loop3A_166 : f32 to vector<16xf32>
        %parallel_loop3A_168 = arith.mulf %parallel_loop3A_165, %parallel_loop3A_167 : vector<16xf32>
        %parallel_loop3A_169 = arith.index_cast %parallel_loop3A_149 : i32 to index
        %parallel_loop3A_170 = arith.constant 16 : index
        %parallel_loop3A_171 = tpu.vector_load %arg9[%parallel_loop3A_169, %parallel_loop3A_170] {strides = array<i32>} : memref<256x64xf32, #tpu.memory_space<vmem>>, vector<1x16xf32>,
        %parallel_loop3A_172 = vector.shape_cast %parallel_loop3A_171 : vector<1x16xf32> to vector<16xf32>
        %parallel_loop3A_173 = vector.shape_cast %parallel_loop3A_168 : vector<16xf32> to vector<1x16xf32>
        tpu.vector_store %arg9[%parallel_loop3A_169, %parallel_loop3A_170], %parallel_loop3A_173 {strides = array<i32>} : memref<256x64xf32, #tpu.memory_space<vmem>>, vector<1x16xf32>,
        %parallel_loop3A_174 = arith.index_cast %parallel_loop3A_149 : i32 to index
        %parallel_loop3A_175 = arith.constant 32 : index
        %parallel_loop3A_176 = tpu.vector_load %arg9[%parallel_loop3A_174, %parallel_loop3A_175] {strides = array<i32>} : memref<256x64xf32, #tpu.memory_space<vmem>>, vector<1x16xf32>,
        %parallel_loop3A_177 = vector.shape_cast %parallel_loop3A_176 : vector<1x16xf32> to vector<16xf32>
        %parallel_loop3A_178 = arith.constant 8.000000e+00 : f32
        %parallel_loop3A_179 = vector.broadcast %parallel_loop3A_178 : f32 to vector<16xf32>
        %parallel_loop3A_180 = arith.mulf %parallel_loop3A_177, %parallel_loop3A_179 : vector<16xf32>
        %parallel_loop3A_181 = arith.index_cast %parallel_loop3A_149 : i32 to index
        %parallel_loop3A_182 = arith.constant 32 : index
        %parallel_loop3A_183 = tpu.vector_load %arg9[%parallel_loop3A_181, %parallel_loop3A_182] {strides = array<i32>} : memref<256x64xf32, #tpu.memory_space<vmem>>, vector<1x16xf32>,
        %parallel_loop3A_184 = vector.shape_cast %parallel_loop3A_183 : vector<1x16xf32> to vector<16xf32>
        %parallel_loop3A_185 = vector.shape_cast %parallel_loop3A_180 : vector<16xf32> to vector<1x16xf32>
        tpu.vector_store %arg9[%parallel_loop3A_181, %parallel_loop3A_182], %parallel_loop3A_185 {strides = array<i32>} : memref<256x64xf32, #tpu.memory_space<vmem>>, vector<1x16xf32>,
        %parallel_loop3A_186 = arith.index_cast %parallel_loop3A_149 : i32 to index
        %parallel_loop3A_187 = arith.constant 48 : index
        %parallel_loop3A_188 = tpu.vector_load %arg9[%parallel_loop3A_186, %parallel_loop3A_187] {strides = array<i32>} : memref<256x64xf32, #tpu.memory_space<vmem>>, vector<1x16xf32>,
        %parallel_loop3A_189 = vector.shape_cast %parallel_loop3A_188 : vector<1x16xf32> to vector<16xf32>
        %parallel_loop3A_190 = arith.constant 8.000000e+00 : f32
        %parallel_loop3A_191 = vector.broadcast %parallel_loop3A_190 : f32 to vector<16xf32>
        %parallel_loop3A_192 = arith.mulf %parallel_loop3A_189, %parallel_loop3A_191 : vector<16xf32>
        %parallel_loop3A_193 = arith.index_cast %parallel_loop3A_149 : i32 to index
        %parallel_loop3A_194 = arith.constant 48 : index
        %parallel_loop3A_195 = tpu.vector_load %arg9[%parallel_loop3A_193, %parallel_loop3A_194] {strides = array<i32>} : memref<256x64xf32, #tpu.memory_space<vmem>>, vector<1x16xf32>,
        %parallel_loop3A_196 = vector.shape_cast %parallel_loop3A_195 : vector<1x16xf32> to vector<16xf32>
        %parallel_loop3A_197 = vector.shape_cast %parallel_loop3A_192 : vector<16xf32> to vector<1x16xf32>
        tpu.vector_store %arg9[%parallel_loop3A_193, %parallel_loop3A_194], %parallel_loop3A_197 {strides = array<i32>} : memref<256x64xf32, #tpu.memory_space<vmem>>, vector<1x16xf32>,
      } {sc.loop_unroll_factor = 8 : i64, sc.parallel_access}
      %mul3A_133 = arith.constant 256 : i32
      %mul3A_134 = arith.muli %add3A_123, %mul3A_133 : i32
      %add3A_135 = arith.addi %mul3A_2, %mul3A_134 : i32
      %dma_start3A_136 = arith.constant 0 : i32
      %dma_start3A_137 = tpu.memref_slice %arg4[%add3A_135, %dma_start3A_136] : memref<819200x64xf32, #tpu.memory_space<hbm>> -> memref<256x64xf32, #tpu.memory_space<hbm>>
      %dma_start3A_138 = arith.constant 0 : i32
      %dma_start3A_139 = tpu.memref_slice %arg4[%add3A_135, %dma_start3A_138] : memref<819200x64xf32, #tpu.memory_space<hbm>> -> memref<256x64xf32, #tpu.memory_space<hbm>>
      tpu.enqueue_dma source(%arg9 : memref<256x64xf32, #tpu.memory_space<vmem>>) target(%dma_start3A_139 : memref<256x64xf32, #tpu.memory_space<hbm>>) target_semaphore(%arg13 : memref<!tpu.dma_semaphore, #tpu.memory_space<semaphore_mem>>)
      %add3A_140 = arith.constant 4 : i32
      %add3A_141 = arith.addi %add3A_123, %add3A_140 : i32
      %sub3A_142 = arith.constant 1 : i32
      %sub3A_143 = arith.subi %add3A_141, %sub3A_142 : i32
      %lt3A_144 = arith.constant 100 : i32
      %lt3A_145 = arith.cmpi slt, %sub3A_143, %lt3A_144 : i32
      %convert_element_type3A_146 = arith.extui %lt3A_145 : i1 to i32
      %cond3A_147 = arith.constant 0 : i32
      %cond3A_148 = arith.cmpi ne, %convert_element_type3A_146, %cond3A_147 : i32
      scf.if %cond3A_148 {
        %gt3A = arith.constant 0 : i32
        %gt3A_149 = arith.cmpi sgt, %add3A_123, %gt3A : i32
        %convert_element_type3A_150 = arith.extui %gt3A_149 : i1 to i32
        %cond3A_151 = arith.constant 0 : i32
        %cond3A_152 = arith.cmpi ne, %convert_element_type3A_150, %cond3A_151 : i32
        scf.if %cond3A_152 {
          %dma_wait3A_159 = arith.constant 0 : i32
          %dma_wait3A_160 = tpu.memref_slice %arg4[%mul3A_2, %dma_wait3A_159] : memref<819200x64xf32, #tpu.memory_space<hbm>> -> memref<256x64xf32, #tpu.memory_space<hbm>>
          %dma_wait3A_161 = arith.constant 0 : i32
          %dma_wait3A_162 = tpu.memref_slice %arg4[%mul3A_2, %dma_wait3A_161] : memref<819200x64xf32, #tpu.memory_space<hbm>> -> memref<256x64xf32, #tpu.memory_space<hbm>>
          tpu.wait_dma2 semaphore(%arg12 : memref<!tpu.dma_semaphore, #tpu.memory_space<semaphore_mem>>) src(%arg8 : memref<256x64xf32, #tpu.memory_space<vmem>>) dst(%dma_wait3A_162 : memref<256x64xf32, #tpu.memory_space<hbm>>)
        } else {
        }
        %mul3A_153 = arith.constant 256 : i32
        %mul3A_154 = arith.muli %sub3A_143, %mul3A_153 : i32
        %dma_start3A_155 = tpu.memref_slice %arg5[%mul3A_154] : memref<25600xi32, #tpu.memory_space<vmem>> -> memref<256xi32, #tpu.memory_space<vmem>>
        %dma_start3A_156 = arith.constant 0 : i32
        %dma_start3A_157 = arith.constant 0 : i32
        %dma_start3A_158 = tpu.memref_slice %arg3[%dma_start3A_156, %dma_start3A_157] : memref<1000000x64xf32, #tpu.memory_space<hbm>> -> memref<1000000x64xf32, #tpu.memory_space<hbm>>
        tpu.enqueue_indirect_dma source(%dma_start3A_158 : memref<1000000x64xf32, #tpu.memory_space<hbm>>) target(%arg8 : memref<256x64xf32, #tpu.memory_space<vmem>>) offsets(%dma_start3A_155 : memref<256xi32, #tpu.memory_space<vmem>>) semaphore(%arg12 : memref<!tpu.dma_semaphore, #tpu.memory_space<semaphore_mem>>)
      } else {
      }
    }
    %scan3A_21 = arith.constant 25 : i32
    %dma_wait3A = arith.constant 0 : i32
    %dma_wait3A_22 = tpu.memref_slice %arg4[%mul3A_2, %dma_wait3A] : memref<819200x64xf32, #tpu.memory_space<hbm>> -> memref<256x64xf32, #tpu.memory_space<hbm>>
    %dma_wait3A_23 = arith.constant 0 : i32
    %dma_wait3A_24 = tpu.memref_slice %arg4[%mul3A_2, %dma_wait3A_23] : memref<819200x64xf32, #tpu.memory_space<hbm>> -> memref<256x64xf32, #tpu.memory_space<hbm>>
    tpu.wait_dma2 semaphore(%arg10 : memref<!tpu.dma_semaphore, #tpu.memory_space<semaphore_mem>>) src(%arg6 : memref<256x64xf32, #tpu.memory_space<vmem>>) dst(%dma_wait3A_24 : memref<256x64xf32, #tpu.memory_space<hbm>>)
    %dma_wait3A_25 = arith.constant 0 : i32
    %dma_wait3A_26 = tpu.memref_slice %arg4[%mul3A_2, %dma_wait3A_25] : memref<819200x64xf32, #tpu.memory_space<hbm>> -> memref<256x64xf32, #tpu.memory_space<hbm>>
    %dma_wait3A_27 = arith.constant 0 : i32
    %dma_wait3A_28 = tpu.memref_slice %arg4[%mul3A_2, %dma_wait3A_27] : memref<819200x64xf32, #tpu.memory_space<hbm>> -> memref<256x64xf32, #tpu.memory_space<hbm>>
    tpu.wait_dma2 semaphore(%arg11 : memref<!tpu.dma_semaphore, #tpu.memory_space<semaphore_mem>>) src(%arg7 : memref<256x64xf32, #tpu.memory_space<vmem>>) dst(%dma_wait3A_28 : memref<256x64xf32, #tpu.memory_space<hbm>>)
    %dma_wait3A_29 = arith.constant 0 : i32
    %dma_wait3A_30 = tpu.memref_slice %arg4[%mul3A_2, %dma_wait3A_29] : memref<819200x64xf32, #tpu.memory_space<hbm>> -> memref<256x64xf32, #tpu.memory_space<hbm>>
    %dma_wait3A_31 = arith.constant 0 : i32
    %dma_wait3A_32 = tpu.memref_slice %arg4[%mul3A_2, %dma_wait3A_31] : memref<819200x64xf32, #tpu.memory_space<hbm>> -> memref<256x64xf32, #tpu.memory_space<hbm>>
    tpu.wait_dma2 semaphore(%arg12 : memref<!tpu.dma_semaphore, #tpu.memory_space<semaphore_mem>>) src(%arg8 : memref<256x64xf32, #tpu.memory_space<vmem>>) dst(%dma_wait3A_32 : memref<256x64xf32, #tpu.memory_space<hbm>>)
    %dma_wait3A_33 = arith.constant 0 : i32
    %dma_wait3A_34 = tpu.memref_slice %arg4[%mul3A_2, %dma_wait3A_33] : memref<819200x64xf32, #tpu.memory_space<hbm>> -> memref<256x64xf32, #tpu.memory_space<hbm>>
    %dma_wait3A_35 = arith.constant 0 : i32
    %dma_wait3A_36 = tpu.memref_slice %arg4[%mul3A_2, %dma_wait3A_35] : memref<819200x64xf32, #tpu.memory_space<hbm>> -> memref<256x64xf32, #tpu.memory_space<hbm>>
    tpu.wait_dma2 semaphore(%arg13 : memref<!tpu.dma_semaphore, #tpu.memory_space<semaphore_mem>>) src(%arg9 : memref<256x64xf32, #tpu.memory_space<vmem>>) dst(%dma_wait3A_36 : memref<256x64xf32, #tpu.memory_space<hbm>>)
    return
  }
}

</mosaic_0001>

<sc_bundles>
// kernel: kernel.3.cloned.1.call-start
scs
__scs_entry_jumppad:
0x0: {  	(pc) =	sbr.rel $0x88, $3  }
0x1: {  	(tag) =	ssettag $0x0;
	lr =	simm.s32 $0x1  }
0x2: {  	[smem:$0x3F9F] =	sst lr;
	_ =	strace $0xD0000000  }
0x3: {  	_ = 	snop  }
0x4: {  	_ = 	snop  }
0x5: {  	_ = 	snop  }
0x6: {  	_ = 	snop  }
0x7: {  	_ = 	snop  }
__scs_overlays_trampoline_lowered:
0x8: {  	[smem:$0x3FAE] =	sst s0  }
0x9: {  	[smem:$0x3FAF] =	sst s1  }
0xa: {  	[smem:$0x3FB0] =	sst s2  }
0xb: {  	[smem:$0x3FB1] =	sst s3  }
0xc: {  	[smem:$0x3FB2] =	sst s4  }
0xd: {  	[smem:$0x3FB3] =	sst s5  }
0xe: {  	[smem:$0x3FB4] =	sst s6  }
0xf: {  	[smem:$0x3FB5] =	sst s7  }
0x10: {  	[smem:$0x3FB6] =	sst s8  }
0x11: {  	[smem:$0x3FB7] =	sst s9;
	s0 =	simm.s32 @!p0 $0x0  }
0x12: {  	s1 =	sld [smem:$0x3F9D];
	s0 =	simm.s32 @p0 $0x1  }
0x13: {  	[smem:$0x3FB8] =	sst s0;
	s0 =	simm.s32 @!p1 $0x0  }
0x14: {  	s2 =	sld [smem:$0x3F9C];
	s0 =	simm.s32 @p1 $0x1  }
0x15: {  	[smem:$0x3FB9] =	sst s0;
	s0 =	simm.s32 @!p2 $0x0  }
0x16: {  	s3 =	sld [smem:$0x3FDB];
	s0 =	simm.s32 @p2 $0x1  }
0x17: {  	s4 =	simm.s32 $0x1BF5;
	[smem:$0x3FBB] =	sst s0  }
0x18: {  	s0 =	sld [smem:$0x3F9E];
	_ =	swait.ge [sflag:s4], $0x0  }
0x19: {  	s7 =	sld [smem:$0x3F9F]  }
0x1a: {  	s8 =	sadd.s32 $0xFFFFE003, lr  }
0x1b: {  	s9 =	sadd.s32 $0xFFFFFEF7, lr;
	s5 =	simm.s32 $0xFFFFFFFF;
	p2 =	slt.u32 s8, $0xFFFFF086  }
0x1c: {  	p1 =	slt.u32 s9, $0xF7A;
	s5 =	simm.s32 @!p2 $0x0  }
0x1d: {  	s5 =	simm.s32 @p1 $0x1;
	p0 =	seq.s32 s7, s2  }
0x1e: {  	s7 =	smul.u32 @!p0 $0xF7A, s2;
	p2 =	seq.s32 @!p0 s5, $0x0  }
0x1f: {  	s9 =	smul.u32 $0xF7A, s1;
	s8 =	simm.s32 @!p0 $0x1BF5;
	p2 =	por !p2, p0  }
0x20: {  	[sflag:s8] =	ssyncset.s32 @!p0 $0xFFFFF086;
	s6 =	sadd.s32 @!p0 s3, s7;
	s7 =	simm.s32 @!p0 $0x108  }
0x21: {  	s3 =	sadd.s32 s3, s9;
	s6 =	sadd.s32 @!p0 $0x88, s6;
	s7 =	simm.s32 @p2 $0x1082  }
0x22: {  	[simem:s7], [sflag:s8] =	dma.local @!p0 [hbm:s6], $0xF7A  }
0x23: {  	s9 =	sor.u32 $0xD0000000, s2;
	s6 =	simm.s32 $0x108;
	_ =	swait.ge @!p0 [sflag:s8], $0x0  }
0x24: {  	s3 =	sadd.s32 $0x88, s3;
	s6 =	simm.s32 @!p1 $0x1082;
	[sflag:s4] =	ssyncset.s32 $0xFFFFF086  }
0x25: {  	[simem:s6], [sflag:s4] =	dma.local [hbm:s3], $0xF7A  }
0x26: {  	[smem:$0x3F9F] =	sst s1;
	(tag) =	ssettag s2;
	_ =	strace s9  }
0x27: {  	s1 =	sld [smem:$0x3FAF]  }
0x28: {  	s2 =	sld [smem:$0x3FB0]  }
0x29: {  	s4 =	sld [smem:$0x3FB2]  }
0x2a: {  	p0 =	seq.s32 s5, $0x0;
	s5 =	sld [smem:$0x3FB3]  }
0x2b: {  	s6 =	sld [smem:$0x3FB4]  }
0x2c: {  	s7 =	sld [smem:$0x3FB5]  }
0x2d: {  	s3 =	simm.s32 $0x108;
	s8 =	sld [smem:$0x3FB6]  }
0x2e: {  	s3 =	simm.s32 @!p0 $0x1082;
	s9 =	sld [smem:$0x3FB7]  }
0x2f: {  	lr =	sadd.s32 s0, s3;
	s0 =	sld [smem:$0x3FAE]  }
0x30: {  	s3 =	sld [smem:$0x3FB1]  }
0x31: {  	[smem:$0x3FBA] =	sst s10  }
0x32: {  	s10 =	sld [smem:$0x3FB8];
	_ =	sdelay $0x3  }
0x33: {  	p0 =	seq.s32 s10, $0x1;
	s10 =	sld [smem:$0x3FBA];
	_ =	sdelay $0x3  }
0x34: {  	[smem:$0x3FBA] =	sst s10  }
0x35: {  	s10 =	sld [smem:$0x3FB9];
	_ =	sdelay $0x3  }
0x36: {  	p1 =	seq.s32 s10, $0x1;
	s10 =	sld [smem:$0x3FBA];
	_ =	sdelay $0x3  }
0x37: {  	[smem:$0x3FBA] =	sst s10  }
0x38: {  	s10 =	sld [smem:$0x3FBB]  }
0x39: {  	_ = 	snop;
	(pc) =	sbr.ind lr, $3  }
0x3a: {  	_ = 	snop  }
0x3b: {  	_ = 	snop  }
0x3c: {  	p2 =	seq.s32 s10, $0x1;
	s10 =	sld [smem:$0x3FBA]  }
0x3d: {  	_ =	shalt  }
0x3e: {  	_ =	shalt  }
0x3f: {  	_ =	shalt  }
0x40: {  	_ =	shalt  }
0x41: {  	_ =	shalt  }
0x42: {  	_ =	shalt  }
0x43: {  	_ =	shalt  }
0x44: {  	_ =	shalt  }
0x45: {  	_ =	shalt  }
0x46: {  	_ =	shalt  }
0x47: {  	_ =	shalt  }
0x48: {  	_ =	shalt  }
0x49: {  	_ =	shalt  }
0x4a: {  	_ =	shalt  }
0x4b: {  	_ =	shalt  }
0x4c: {  	_ =	shalt  }
0x4d: {  	_ =	shalt  }
0x4e: {  	_ =	shalt  }
0x4f: {  	_ =	shalt  }
0x50: {  	_ =	shalt  }
0x51: {  	_ =	shalt  }
0x52: {  	_ =	shalt  }
0x53: {  	_ =	shalt  }
0x54: {  	_ =	shalt  }
0x55: {  	_ =	shalt  }
0x56: {  	_ =	shalt  }
0x57: {  	_ =	shalt  }
0x58: {  	_ =	shalt  }
0x59: {  	_ =	shalt  }
0x5a: {  	_ =	shalt  }
0x5b: {  	_ =	shalt  }
0x5c: {  	_ =	shalt  }
0x5d: {  	_ =	shalt  }
0x5e: {  	_ =	shalt  }
0x5f: {  	_ =	shalt  }
0x60: {  	_ =	shalt  }
0x61: {  	_ =	shalt  }
0x62: {  	_ =	shalt  }
0x63: {  	_ =	shalt  }
0x64: {  	_ =	shalt  }
0x65: {  	_ =	shalt  }
0x66: {  	_ =	shalt  }
0x67: {  	_ =	shalt  }
0x68: {  	_ =	shalt  }
0x69: {  	_ =	shalt  }
0x6a: {  	_ =	shalt  }
0x6b: {  	_ =	shalt  }
0x6c: {  	_ =	shalt  }
0x6d: {  	_ =	shalt  }
0x6e: {  	_ =	shalt  }
0x6f: {  	_ =	shalt  }
0x70: {  	_ =	shalt  }
0x71: {  	_ =	shalt  }
0x72: {  	_ =	shalt  }
0x73: {  	_ =	shalt  }
0x74: {  	_ =	shalt  }
0x75: {  	_ =	shalt  }
0x76: {  	_ =	shalt  }
0x77: {  	_ =	shalt  }
0x78: {  	_ =	shalt  }
0x79: {  	_ =	shalt  }
0x7a: {  	_ =	shalt  }
0x7b: {  	_ =	shalt  }
0x7c: {  	_ =	shalt  }
0x7d: {  	_ =	shalt  }
0x7e: {  	_ =	shalt  }
0x7f: {  	_ =	shalt  }
0x80: {  	_ =	shalt  }
0x81: {  	_ =	shalt  }
0x82: {  	_ =	shalt  }
0x83: {  	_ =	shalt  }
0x84: {  	_ =	shalt  }
0x85: {  	_ =	shalt  }
0x86: {  	_ =	shalt  }
0x87: {  	_ =	shalt  }
.Lfunc_end0:
.L_simem_size_0:
called_computation.1_lowered:
.L_overlay_start_0:
0x88: {  	s2 =	sld [smem:$0x3FD9]  }
0x89: {  	s3 =	sld [smem:$0x3FFE];
	_ =	sdelay $0x1  }
0x8a: {  	s1 =	srdreg.scid  }
0x8b: {  	s0 =	sand.u32 $0x1, s1  }
0x8c: {  	s17 =	sshll.u32 s0, $0xA;
	s2 =	sadd.s32 s3, s2  }
0x8d: {  	s2 =	sadd.s32 s2, s17  }
0x8e: {  	[smem:$0x3FC6] =	sst s2  }
0x8f: {  	_ = 	snop  }
0x90: {  	s2 =	sld [smem:$0x3FD0];
	(tm) =	ssettm $0x1  }
0x91: {  	s18 =	sld [smem:$0x3FFB];
	_ =	sdelay $0x3  }
0x92: {  	_ =	strace s18  }
0x93: {  	s3 =	sld [smem:$0x3FFC];
	_ =	sdelay $0x3  }
0x94: {  	_ =	strace s3  }
0x95: {  	s3 =	sld [smem:$0x3FFD];
	_ =	sdelay $0x3  }
0x96: {  	_ =	strace s3  }
0x97: {  	_ =	strace $0x8FFFFFFF  }
0x98: {  	s19 =	sld [smem:$0x3FDB];
	_ =	sdelay $0x1  }
0x99: {  	s4 =	simm.s32 $_scs_section_size  }
0x9a: {  	s5 =	simm.s32 $_size__tile_overlayer_lowered;
	s6 =	simm.s32 $_tile_overlayer_lowered  }
0x9b: {  	s22 =	simm.s32 $0x1BFF;
	s21 =	sshll.u32 s6, $0x1;
	s3 =	sadd.s32 s4, s19  }
0x9c: {  	s7 =	simm.s32 $0x0;
	s20 =	sshll.u32 s5, $0x1;
	s5 =	sadd.s32 s21, s3  }
0x9d: {  	[timem:s7], [sflag:s22] =	dma.local [hbm:s5], s20  }
0x9e: {  	_ =	swait.ge [sflag:s22], s20  }
0x9f: {  	s4 =	ssub.s32 $0x0, s20;
	[sflag:s22] =	ssyncset.done $0x0  }
0xa0: {  	[sflag:s22] =	ssyncadd.s32 s4;
	_ =	sdelay $0x1  }
0xa1: {  	s23 =	simm.s32 $0x1B8B  }
0xa2: {  	_ =	swait.ge [sflag:s23], $0x1  }
0xa3: {  	[sflag:s23] =	ssyncset.done $0x0  }
0xa4: {  	s25 =	simm.s32 $0x1B8E;
	s24 =	sld [smem:$0x3FFE];
	[sflag:s23] =	ssyncadd.s32 $0xFFFFFFFF  }
0xa5: {  	s26 =	simm.s32 $execute0_lowered;
	[smem:$0x3FD2] =	sst s25  }
0xa6: {  	s5 =	sshll.u32 s26, $0x1;
	_ =	strace $0x80000046;
	[dreg:$0x1] =	wrdreg $0xFFFFFFFF  }
0xa7: {  	s28 =	simm.s32 $_size_execute0_lowered;
	s3 =	sadd.s32 s3, s5;
	[dreg:$0x0] =	wrdreg $0x0  }
0xa8: {  	s5 =	sshll.u32 s28, $0x1;
	[dreg:$0x2] =	wrdreg s3  }
0xa9: {  	[dreg:$0x3] =	wrdreg s5  }
0xaa: {  	[dreg:$0x4] =	wrdreg $0xC0  }
0xab: {  	_ =	task [dreg:s7], $0x5FFFF  }
0xac: {  	[dreg:$0x1] =	wrdreg $0xFFFFFFFF  }
0xad: {  	[dreg:$0x0] =	wrdreg $0x60  }
0xae: {  	[dreg:$0x2] =	wrdreg s24  }
0xaf: {  	[dreg:$0x3] =	wrdreg s2  }
0xb0: {  	[dreg:$0x4] =	wrdreg $0x9  }
0xb1: {  	_ =	task.clear_ibuf [dreg:s7], $0x5FFFF;
	_ =	strace $0x90000046  }
0xb2: {  	s29 =	simm.s32 $0x9;
	_ =	strace $0x80000048  }
0xb3: {  	_ =	swait.ge [sflag:s29], $0x1  }
0xb4: {  	[sflag:s29] =	ssyncadd.s32 $0xFFFFFFFF  }
0xb5: {  	_ =	strace $0x90000048  }
0xb6: {  	_ =	sfence  }
0xb7: {  	s30 =	sld [smem:$0x0];
	_ =	sdelay $0x2  }
0xb8: {  	s31 =	sshll.u32 s1, $0xD;
	s1 =	sshrl.u32 s1, $0x2  }
0xb9: {  	s3 =	sand.u32 $0x4000, s31;
	s1 =	sadd.s32 s1, s30  }
0xba: {  	s0 =	sor.u32 s3, s0;
	s1 =	sshll.u32 s1, $0x11  }
0xbb: {  	s0 =	sor.u32 s1, s0  }
0xbc: {  	s0 =	sadd.s32 $0x8F2B, s0  }
0xbd: {  	[sflag:s0] =	ssyncadd.remote.s32 $0x1  }
0xbe: {  	_ =	sfence.sel $0xFFFF  }
0xbf: {  	[dreg:$0x0] =	wrdreg $0xFFFFFFFF;
	(pc) =	sbr.abs _section_cstart, $3  }
0xc0: {  	[dreg:$0x1] =	wrdreg $0xFFFFFFFF  }
0xc1: {  	_ =	task.clear_ibuf [dreg:s7], $0x2FFFF;
	_ =	strace $0x9FFFFFFF  }
0xc2: {  	(tm) =	ssettm $0x7FFFFFFF  }
0xc3: {  	_ =	shalt  }
tec
execute0_lowered:
.L_overlay_start_1:
0x0: {  	(tag) =	ssettag $0x1  }
0x1: {  	s5 =	rddreg [dreg:$0x0];
	s1 =	srdreg.scid  }
0x2: {  	s0 =	stileid.u32;
	s2 =	rddreg [dreg:$0x1];
	s3 =	simm.s32 $0x0  }
0x3: {  	s10 =	simm.s32 $0x5;
	s11 =	simm.s32 $0x100;
	s12 =	simm.s32 $0x6400  }
0x4: {  	s13 =	simm.s32 $0xA400;
	s14 =	simm.s32 $0x200;
	s15 =	simm.s32 $0xE400  }
0x5: {  	s16 =	simm.s32 $0x1;
	s4 =	sand.u32 $0x1, s1;
	s6 =	sshll.u32 s0, $0x1  }
0x6: {  	s17 =	simm.s32 $0x12400;
	s18 =	simm.s32 $0x2;
	s6 =	sor.u32 s4, s6  }
0x7: {  	s19 =	simm.s32 $0x3;
	s20 =	simm.s32 $0x4;
	s7 =	smul.u32 $0xC80, s6  }
.Ltmp0:
0x8: {  	s21 =	simm.s32 $0x0;
	s8 =	ssub.s32 $0x2, s4;
	(pc) =	sbr.rel .LBB2_1-.Ltmp0, $4  }
0x9: {  	[smem:$0x7FF] =	sst s3;
	s9 =	sshrl.u32 s8, $0x1;
	s4 =	smul.u32 $0x190000, s6  }
0xa: {  	s1 =	rddreg [dreg:$0x2];
	_ =	strace $0x80000047;
	s9 =	ssub.s32 s8, s9  }
0xb: {  	s7 =	sadd.s32 s7, s5;
	s5 =	sadd.s32 $0xF42E00, s5;
	s8 =	sor.u32 $0x8000, s4  }
0xc: {  	s9 =	smax.u32 s9, $0x1;
	s6 =	sadd.s32 $0xA00, s7;
	s7 =	sor.u32 $0x4000, s4  }
.LBB2_12:
0xd: {  	_ =	swait.ge [sflag:s16], $0x4000  }
0xe: {  	[sflag:s16] =	ssyncset.done $0x0  }
0xf: {  	[sflag:s16] =	ssyncadd.s32 $0xFFFFC000  }
0x10: {  	_ =	swait.ge [sflag:s18], $0x4000  }
0x11: {  	[sflag:s18] =	ssyncset.done $0x0  }
0x12: {  	s21 =	sadd.s32 $0x1, s21;
	[sflag:s18] =	ssyncadd.s32 $0xFFFFC000  }
0x13: {  	p0 =	sne.s32 s21, s9;
	_ =	swait.ge [sflag:s19], $0x4000  }
.Ltmp1:
0x14: {  	[sflag:s19] =	ssyncset.done $0x0;
	(pc) =	sbr.rel @!p0 .LBB2_13-.Ltmp1, $4  }
0x15: {  	[sflag:s19] =	ssyncadd.s32 $0xFFFFC000  }
0x16: {  	_ =	swait.ge [sflag:s20], $0x4000  }
0x17: {  	[sflag:s20] =	ssyncset.done $0x0  }
0x18: {  	[sflag:s20] =	ssyncadd.s32 $0xFFFFC000  }
.LBB2_1:
0x19: {  	[tilespmem:s3], [sflag:$0x5] =	stream.linear.gather [hbm4b:s6+s3], $0x6400, $0x38;
	[tilespmem:$0x16400] =	vst v63  }
0x1a: {  	_ =	swait.ge [sflag:s10], $0x6400  }
0x1b: {  	[sflag:s10] =	ssyncset.done $0x0  }
0x1c: {  	[sflag:s10] =	ssyncadd.s32 $0xFFFF9C00  }
0x1d: {  	[tilespmem:s12], [sflag:$0x1] =	stream.indirect.gather [hbm4b:s5+s11], $0x40, s3, s11, $0xb8;
	[tilespmem:$0x16400] =	vst v63  }
0x1e: {  	_ = 	snop  }
0x1f: {  	[tilespmem:s13], [sflag:$0x2] =	stream.indirect.gather [hbm4b:s5+s11], $0x40, s11, s11, $0xb8;
	[tilespmem:$0x16400] =	vst v63  }
0x20: {  	s22 =	simm.s32 $0x0  }
0x21: {  	[tilespmem:s15], [sflag:$0x3] =	stream.indirect.gather [hbm4b:s5+s11], $0x40, s14, s11, $0xb8;
	[tilespmem:$0x16400] =	vst v63  }
.LBB2_2:
0x22: {  	_ =	swait.ge [sflag:s16], $0x4000  }
0x23: {  	[sflag:s16] =	ssyncset.done $0x0  }
0x24: {  	s23 =	simm.s32 $0x6500;
	[sflag:s16] =	ssyncadd.s32 $0xFFFFC000  }
0x25: {  	v0 =	vld [tilespmem:s23+$0xF0]  }
0x26: {  	v1 =	vld [tilespmem:s23+$0xFFFFFF10]  }
0x27: {  	v2 =	vld [tilespmem:s23+$0xFFFFFF20]  }
0x28: {  	v3 =	vld [tilespmem:s23+$0xFFFFFF30]  }
0x29: {  	v4 =	vld [tilespmem:s23+$0xFFFFFF40]  }
0x2a: {  	v5 =	vld [tilespmem:s23+$0xFFFFFF50];
	v0 =	vmul.f32 $8.000000000e+00, v0  }
0x2b: {  	v6 =	vld [tilespmem:s23+$0xFFFFFF60];
	v1 =	vmul.f32 $8.000000000e+00, v1  }
0x2c: {  	v7 =	vld [tilespmem:s23+$0xFFFFFF70];
	v2 =	vmul.f32 $8.000000000e+00, v2;
	[tilespmem:s23+$0xF0] =	vst v0  }
0x2d: {  	[tilespmem:s23+$0xFFFFFF10] =	vst v1;
	v0 =	vmul.f32 $8.000000000e+00, v3;
	v1 =	vld [tilespmem:s23+$0xFFFFFF80]  }
0x2e: {  	[tilespmem:s23+$0xFFFFFF20] =	vst v2;
	v2 =	vmul.f32 $8.000000000e+00, v4;
	v3 =	vld [tilespmem:s23+$0xFFFFFF90]  }
0x2f: {  	v4 =	vld [tilespmem:s23+$0xFFFFFFA0];
	[tilespmem:s23+$0xFFFFFF30] =	vst v0;
	v0 =	vmul.f32 $8.000000000e+00, v5  }
0x30: {  	[tilespmem:s23+$0xFFFFFF40] =	vst v2;
	v2 =	vmul.f32 $8.000000000e+00, v6;
	v5 =	vld [tilespmem:s23+$0xFFFFFFB0]  }
0x31: {  	v6 =	vld [tilespmem:s23+$0xFFFFFFC0];
	[tilespmem:s23+$0xFFFFFF50] =	vst v0;
	v0 =	vmul.f32 $8.000000000e+00, v7  }
0x32: {  	[tilespmem:s23+$0xFFFFFF60] =	vst v2;
	v2 =	vld [tilespmem:s23+$0xFFFFFFD0];
	v1 =	vmul.f32 $8.000000000e+00, v1  }
0x33: {  	[tilespmem:s23+$0xFFFFFF70] =	vst v0;
	v0 =	vmul.f32 $8.000000000e+00, v3;
	v3 =	vld [tilespmem:s23+$0xFFFFFFE0]  }
0x34: {  	[tilespmem:s23+$0xFFFFFF80] =	vst v1;
	v1 =	vmul.f32 $8.000000000e+00, v4;
	v4 =	vld [tilespmem:s23+$0xFFFFFFF0]  }
0x35: {  	[tilespmem:s23+$0xFFFFFF90] =	vst v0;
	v0 =	vmul.f32 $8.000000000e+00, v5;
	v5 =	vld [tilespmem:s23+$0x0]  }
0x36: {  	[tilespmem:s23+$0xFFFFFFA0] =	vst v1;
	v1 =	vmul.f32 $8.000000000e+00, v6;
	v6 =	vld [tilespmem:s23+$0x10]  }
0x37: {  	[tilespmem:s23+$0xFFFFFFB0] =	vst v0;
	v0 =	vmul.f32 $8.000000000e+00, v2;
	v2 =	vld [tilespmem:s23+$0x20]  }
0x38: {  	[tilespmem:s23+$0xFFFFFFC0] =	vst v1;
	v1 =	vmul.f32 $8.000000000e+00, v3;
	v3 =	vld [tilespmem:s23+$0x30]  }
0x39: {  	[tilespmem:s23+$0xFFFFFFD0] =	vst v0;
	v0 =	vmul.f32 $8.000000000e+00, v4;
	v4 =	vld [tilespmem:s23+$0x40]  }
0x3a: {  	[tilespmem:s23+$0xFFFFFFE0] =	vst v1;
	v1 =	vmul.f32 $8.000000000e+00, v5;
	v5 =	vld [tilespmem:s23+$0x50]  }
0x3b: {  	[tilespmem:s23+$0xFFFFFFF0] =	vst v0;
	v0 =	vmul.f32 $8.000000000e+00, v6;
	v6 =	vld [tilespmem:s23+$0x60]  }
0x3c: {  	[tilespmem:s23+$0x0] =	vst v1;
	v1 =	vmul.f32 $8.000000000e+00, v2;
	v2 =	vld [tilespmem:s23+$0x70]  }
0x3d: {  	[tilespmem:s23+$0x10] =	vst v0;
	v0 =	vmul.f32 $8.000000000e+00, v3;
	v3 =	vld [tilespmem:s23+$0x80]  }
0x3e: {  	[tilespmem:s23+$0x20] =	vst v1;
	v1 =	vmul.f32 $8.000000000e+00, v4;
	v4 =	vld [tilespmem:s23+$0x90]  }
0x3f: {  	v7 =	vld [tilespmem:s23+$0xA0];
	[tilespmem:s23+$0x30] =	vst v0;
	v5 =	vmul.f32 $8.000000000e+00, v5  }
0x40: {  	v0 =	vld [tilespmem:s23+$0xB0];
	[tilespmem:s23+$0x40] =	vst v1;
	v6 =	vmul.f32 $8.000000000e+00, v6  }
0x41: {  	v1 =	vld [tilespmem:s23+$0xC0];
	[tilespmem:s23+$0x50] =	vst v5;
	v5 =	vmul.f32 $8.000000000e+00, v2  }
0x42: {  	v2 =	vld [tilespmem:s23+$0xD0];
	[tilespmem:s23+$0x60] =	vst v6;
	v6 =	vmul.f32 $8.000000000e+00, v3  }
0x43: {  	v3 =	vld [tilespmem:s23+$0xE0];
	[tilespmem:s23+$0x70] =	vst v5;
	v5 =	vmul.f32 $8.000000000e+00, v4  }
0x44: {  	s24 =	simm.s32 $0x0;
	s25 =	simm.s32 $0x6700;
	v4 =	vld [tilespmem:s23+$0xFFFFFF00];
	[tilespmem:s23+$0x80] =	vst v6;
	v6 =	vmul.f32 $8.000000000e+00, v7  }
.LBB2_3:
0x45: {  	v7 =	vld [tilespmem:s25+$0xF0];
	s24 =	sadd.s32 $0x8, s24;
	[tilespmem:s23+$0x90] =	vst v5;
	v0 =	vmul.f32 $8.000000000e+00, v0  }
0x46: {  	v5 =	vld [tilespmem:s25+$0xFFFFFF10];
	p0 =	slt.u32 s24, $0xF8;
	[tilespmem:s23+$0xA0] =	vst v6;
	v1 =	vmul.f32 $8.000000000e+00, v1  }
0x47: {  	v6 =	vld [tilespmem:s25+$0xFFFFFF20];
	[tilespmem:s23+$0xB0] =	vst v0;
	v0 =	vmul.f32 $8.000000000e+00, v2  }
0x48: {  	v2 =	vld [tilespmem:s25+$0xFFFFFF30];
	[tilespmem:s23+$0xC0] =	vst v1;
	v1 =	vmul.f32 $8.000000000e+00, v3  }
0x49: {  	v3 =	vld [tilespmem:s25+$0xFFFFFF40];
	v4 =	vmul.f32 $8.000000000e+00, v4;
	[tilespmem:s23+$0xD0] =	vst v0  }
0x4a: {  	v0 =	vld [tilespmem:s25+$0xFFFFFF50];
	v7 =	vmul.f32 $8.000000000e+00, v7;
	[tilespmem:s23+$0xE0] =	vst v1  }
0x4b: {  	v1 =	vmul.f32 $8.000000000e+00, v5;
	v5 =	vld [tilespmem:s25+$0xFFFFFF60];
	[tilespmem:s23+$0xFFFFFF00] =	vst v4;
	s23 =	smov.u32 s25  }
0x4c: {  	v4 =	vmul.f32 $8.000000000e+00, v6;
	v6 =	vld [tilespmem:s25+$0xFFFFFF70];
	[tilespmem:s25+$0xF0] =	vst v7  }
0x4d: {  	[tilespmem:s25+$0xFFFFFF10] =	vst v1;
	v1 =	vmul.f32 $8.000000000e+00, v2;
	v2 =	vld [tilespmem:s25+$0xFFFFFF80]  }
0x4e: {  	[tilespmem:s25+$0xFFFFFF20] =	vst v4;
	v3 =	vmul.f32 $8.000000000e+00, v3;
	v4 =	vld [tilespmem:s25+$0xFFFFFF90]  }
0x4f: {  	[tilespmem:s25+$0xFFFFFF30] =	vst v1;
	v0 =	vmul.f32 $8.000000000e+00, v0;
	v1 =	vld [tilespmem:s25+$0xFFFFFFA0]  }
0x50: {  	[tilespmem:s25+$0xFFFFFF40] =	vst v3;
	v3 =	vmul.f32 $8.000000000e+00, v5;
	v5 =	vld [tilespmem:s25+$0xFFFFFFB0]  }
0x51: {  	[tilespmem:s25+$0xFFFFFF50] =	vst v0;
	v0 =	vmul.f32 $8.000000000e+00, v6;
	v6 =	vld [tilespmem:s25+$0xFFFFFFC0]  }
0x52: {  	[tilespmem:s25+$0xFFFFFF60] =	vst v3;
	v2 =	vmul.f32 $8.000000000e+00, v2;
	v3 =	vld [tilespmem:s25+$0xFFFFFFD0]  }
0x53: {  	[tilespmem:s25+$0xFFFFFF70] =	vst v0;
	v0 =	vmul.f32 $8.000000000e+00, v4;
	v4 =	vld [tilespmem:s25+$0xFFFFFFE0]  }
0x54: {  	[tilespmem:s25+$0xFFFFFF80] =	vst v2;
	v1 =	vmul.f32 $8.000000000e+00, v1;
	v2 =	vld [tilespmem:s25+$0xFFFFFFF0]  }
0x55: {  	[tilespmem:s25+$0xFFFFFF90] =	vst v0;
	v0 =	vmul.f32 $8.000000000e+00, v5;
	v5 =	vld [tilespmem:s25+$0x0]  }
0x56: {  	[tilespmem:s25+$0xFFFFFFA0] =	vst v1;
	v1 =	vmul.f32 $8.000000000e+00, v6;
	v6 =	vld [tilespmem:s25+$0x10]  }
0x57: {  	[tilespmem:s25+$0xFFFFFFB0] =	vst v0;
	v0 =	vmul.f32 $8.000000000e+00, v3;
	v3 =	vld [tilespmem:s25+$0x20]  }
0x58: {  	[tilespmem:s25+$0xFFFFFFC0] =	vst v1;
	v1 =	vmul.f32 $8.000000000e+00, v4;
	v4 =	vld [tilespmem:s25+$0x30]  }
0x59: {  	[tilespmem:s25+$0xFFFFFFD0] =	vst v0;
	v0 =	vmul.f32 $8.000000000e+00, v2;
	v2 =	vld [tilespmem:s25+$0x40]  }
0x5a: {  	[tilespmem:s25+$0xFFFFFFE0] =	vst v1;
	v1 =	vmul.f32 $8.000000000e+00, v5;
	v5 =	vld [tilespmem:s25+$0x50]  }
0x5b: {  	[tilespmem:s25+$0xFFFFFFF0] =	vst v0;
	v0 =	vmul.f32 $8.000000000e+00, v6;
	v6 =	vld [tilespmem:s25+$0x60]  }
0x5c: {  	[tilespmem:s25+$0x0] =	vst v1;
	v1 =	vmul.f32 $8.000000000e+00, v3;
	v3 =	vld [tilespmem:s25+$0x70]  }
0x5d: {  	[tilespmem:s25+$0x10] =	vst v0;
	v0 =	vmul.f32 $8.000000000e+00, v4;
	v4 =	vld [tilespmem:s25+$0x80]  }
0x5e: {  	[tilespmem:s25+$0x20] =	vst v1;
	v1 =	vmul.f32 $8.000000000e+00, v2;
	v7 =	vld [tilespmem:s25+$0x90]  }
0x5f: {  	[tilespmem:s25+$0x30] =	vst v0;
	v2 =	vmul.f32 $8.000000000e+00, v5;
	v8 =	vld [tilespmem:s25+$0xA0]  }
.Ltmp2:
0x60: {  	[tilespmem:s25+$0x40] =	vst v1;
	v5 =	vmul.f32 $8.000000000e+00, v6;
	v0 =	vld [tilespmem:s25+$0xB0];
	(pc) =	sbr.rel @p0 .LBB2_3-.Ltmp2, $4  }
0x61: {  	[tilespmem:s25+$0x50] =	vst v2;
	v3 =	vmul.f32 $8.000000000e+00, v3;
	v1 =	vld [tilespmem:s25+$0xC0]  }
0x62: {  	[tilespmem:s25+$0x60] =	vst v5;
	v6 =	vmul.f32 $8.000000000e+00, v4;
	v2 =	vld [tilespmem:s25+$0xD0]  }
0x63: {  	[tilespmem:s25+$0x70] =	vst v3;
	v5 =	vmul.f32 $8.000000000e+00, v7;
	v3 =	vld [tilespmem:s25+$0xE0]  }
0x64: {  	s25 =	sadd.s32 $0x200, s25;
	v4 =	vld [tilespmem:s23+$0xFFFFFF00];
	[tilespmem:s23+$0x80] =	vst v6;
	v6 =	vmul.f32 $8.000000000e+00, v8  }
0x65: {  	[tilespmem:s23+$0x90] =	vst v5;
	v0 =	vmul.f32 $8.000000000e+00, v0  }
0x66: {  	[tilespmem:s23+$0xA0] =	vst v6;
	v1 =	vmul.f32 $8.000000000e+00, v1  }
0x67: {  	[tilespmem:s23+$0xB0] =	vst v0;
	v0 =	vmul.f32 $8.000000000e+00, v2  }
0x68: {  	s24 =	sshll.u32 s22, $0x10;
	[tilespmem:s23+$0xC0] =	vst v1;
	v1 =	vmul.f32 $8.000000000e+00, v3  }
0x69: {  	s25 =	sadd.s32 s4, s24;
	v2 =	vmul.f32 $8.000000000e+00, v4;
	[tilespmem:s23+$0xD0] =	vst v0  }
0x6a: {  	p0 =	seq.s32 s22, $0x0;
	s25 =	sshrl.u32 s25, $0x3;
	[tilespmem:s23+$0xE0] =	vst v1  }
0x6b: {  	s30 =	sadd.s32 s2, s25;
	s25 =	simm.s32 @!p0 $0x4;
	[tilespmem:s23+$0xFFFFFF00] =	vst v2  }
0x6c: {  	[hbm4b:s30+s3] =	stream.linear.scatter [tilespmem:s12], [sflag:$0x1], $0x4000, $0x38;
	[tilespmem:$0x16400] =	vst v63  }
0x6d: {  	s23 =	sshllo.u32 s22, $0x2;
	_ =	swait.ge @!p0 [sflag:s25], $0x4000  }
0x6e: {  	s26 =	sshll.u32 s23, $0x8;
	[sflag:s25] =	ssyncset.done @!p0 $0x0  }
0x6f: {  	s31 =	sand.u32 $0x3FFFFF00, s26;
	[sflag:s25] =	ssyncadd.s32 @!p0 $0xFFFFC000  }
0x70: {  	[tilespmem:s17], [sflag:$0x4] =	stream.indirect.gather [hbm4b:s5+s11], $0x40, s31, s11, $0xb8;
	[tilespmem:$0x16400] =	vst v63  }
0x71: {  	_ =	swait.ge [sflag:s18], $0x4000  }
0x72: {  	[sflag:s18] =	ssyncset.done $0x0  }
0x73: {  	s25 =	simm.s32 $0xA500;
	[sflag:s18] =	ssyncadd.s32 $0xFFFFC000  }
0x74: {  	v0 =	vld [tilespmem:s25+$0xF0]  }
0x75: {  	v1 =	vld [tilespmem:s25+$0xFFFFFF10]  }
0x76: {  	v2 =	vld [tilespmem:s25+$0xFFFFFF20]  }
0x77: {  	v3 =	vld [tilespmem:s25+$0xFFFFFF30]  }
0x78: {  	v4 =	vld [tilespmem:s25+$0xFFFFFF40]  }
0x79: {  	v5 =	vld [tilespmem:s25+$0xFFFFFF50];
	v0 =	vmul.f32 $8.000000000e+00, v0  }
0x7a: {  	v6 =	vld [tilespmem:s25+$0xFFFFFF60];
	v1 =	vmul.f32 $8.000000000e+00, v1  }
0x7b: {  	v7 =	vld [tilespmem:s25+$0xFFFFFF70];
	v2 =	vmul.f32 $8.000000000e+00, v2;
	[tilespmem:s25+$0xF0] =	vst v0  }
0x7c: {  	[tilespmem:s25+$0xFFFFFF10] =	vst v1;
	v0 =	vmul.f32 $8.000000000e+00, v3;
	v1 =	vld [tilespmem:s25+$0xFFFFFF80]  }
0x7d: {  	[tilespmem:s25+$0xFFFFFF20] =	vst v2;
	v2 =	vmul.f32 $8.000000000e+00, v4;
	v3 =	vld [tilespmem:s25+$0xFFFFFF90]  }
0x7e: {  	v4 =	vld [tilespmem:s25+$0xFFFFFFA0];
	[tilespmem:s25+$0xFFFFFF30] =	vst v0;
	v0 =	vmul.f32 $8.000000000e+00, v5  }
0x7f: {  	[tilespmem:s25+$0xFFFFFF40] =	vst v2;
	v2 =	vmul.f32 $8.000000000e+00, v6;
	v5 =	vld [tilespmem:s25+$0xFFFFFFB0]  }
0x80: {  	v6 =	vld [tilespmem:s25+$0xFFFFFFC0];
	[tilespmem:s25+$0xFFFFFF50] =	vst v0;
	v0 =	vmul.f32 $8.000000000e+00, v7  }
0x81: {  	[tilespmem:s25+$0xFFFFFF60] =	vst v2;
	v2 =	vld [tilespmem:s25+$0xFFFFFFD0];
	v1 =	vmul.f32 $8.000000000e+00, v1  }
0x82: {  	[tilespmem:s25+$0xFFFFFF70] =	vst v0;
	v0 =	vmul.f32 $8.000000000e+00, v3;
	v3 =	vld [tilespmem:s25+$0xFFFFFFE0]  }
0x83: {  	[tilespmem:s25+$0xFFFFFF80] =	vst v1;
	v1 =	vmul.f32 $8.000000000e+00, v4;
	v4 =	vld [tilespmem:s25+$0xFFFFFFF0]  }
0x84: {  	[tilespmem:s25+$0xFFFFFF90] =	vst v0;
	v0 =	vmul.f32 $8.000000000e+00, v5;
	v5 =	vld [tilespmem:s25+$0x0]  }
0x85: {  	[tilespmem:s25+$0xFFFFFFA0] =	vst v1;
	v1 =	vmul.f32 $8.000000000e+00, v6;
	v6 =	vld [tilespmem:s25+$0x10]  }
0x86: {  	[tilespmem:s25+$0xFFFFFFB0] =	vst v0;
	v0 =	vmul.f32 $8.000000000e+00, v2;
	v2 =	vld [tilespmem:s25+$0x20]  }
0x87: {  	[tilespmem:s25+$0xFFFFFFC0] =	vst v1;
	v1 =	vmul.f32 $8.000000000e+00, v3;
	v3 =	vld [tilespmem:s25+$0x30]  }
0x88: {  	[tilespmem:s25+$0xFFFFFFD0] =	vst v0;
	v0 =	vmul.f32 $8.000000000e+00, v4;
	v4 =	vld [tilespmem:s25+$0x40]  }
0x89: {  	[tilespmem:s25+$0xFFFFFFE0] =	vst v1;
	v1 =	vmul.f32 $8.000000000e+00, v5;
	v5 =	vld [tilespmem:s25+$0x50]  }
0x8a: {  	[tilespmem:s25+$0xFFFFFFF0] =	vst v0;
	v0 =	vmul.f32 $8.000000000e+00, v6;
	v6 =	vld [tilespmem:s25+$0x60]  }
0x8b: {  	[tilespmem:s25+$0x0] =	vst v1;
	v1 =	vmul.f32 $8.000000000e+00, v2;
	v2 =	vld [tilespmem:s25+$0x70]  }
0x8c: {  	[tilespmem:s25+$0x10] =	vst v0;
	v0 =	vmul.f32 $8.000000000e+00, v3;
	v3 =	vld [tilespmem:s25+$0x80]  }
0x8d: {  	[tilespmem:s25+$0x20] =	vst v1;
	v1 =	vmul.f32 $8.000000000e+00, v4;
	v4 =	vld [tilespmem:s25+$0x90]  }
0x8e: {  	v7 =	vld [tilespmem:s25+$0xA0];
	[tilespmem:s25+$0x30] =	vst v0;
	v5 =	vmul.f32 $8.000000000e+00, v5  }
0x8f: {  	v0 =	vld [tilespmem:s25+$0xB0];
	[tilespmem:s25+$0x40] =	vst v1;
	v6 =	vmul.f32 $8.000000000e+00, v6  }
0x90: {  	v1 =	vld [tilespmem:s25+$0xC0];
	[tilespmem:s25+$0x50] =	vst v5;
	v5 =	vmul.f32 $8.000000000e+00, v2  }
0x91: {  	v2 =	vld [tilespmem:s25+$0xD0];
	[tilespmem:s25+$0x60] =	vst v6;
	v6 =	vmul.f32 $8.000000000e+00, v3  }
0x92: {  	v3 =	vld [tilespmem:s25+$0xE0];
	[tilespmem:s25+$0x70] =	vst v5;
	v5 =	vmul.f32 $8.000000000e+00, v4  }
0x93: {  	s28 =	simm.s32 $0xA700;
	s26 =	simm.s32 $0x0;
	v4 =	vld [tilespmem:s25+$0xFFFFFF00];
	[tilespmem:s25+$0x80] =	vst v6;
	v6 =	vmul.f32 $8.000000000e+00, v7  }
.LBB2_5:
0x94: {  	v7 =	vld [tilespmem:s28+$0xF0];
	s26 =	sadd.s32 $0x8, s26;
	[tilespmem:s25+$0x90] =	vst v5;
	v0 =	vmul.f32 $8.000000000e+00, v0  }
0x95: {  	v5 =	vld [tilespmem:s28+$0xFFFFFF10];
	p0 =	slt.u32 s26, $0xF8;
	[tilespmem:s25+$0xA0] =	vst v6;
	v1 =	vmul.f32 $8.000000000e+00, v1  }
0x96: {  	v6 =	vld [tilespmem:s28+$0xFFFFFF20];
	[tilespmem:s25+$0xB0] =	vst v0;
	v0 =	vmul.f32 $8.000000000e+00, v2  }
0x97: {  	v2 =	vld [tilespmem:s28+$0xFFFFFF30];
	[tilespmem:s25+$0xC0] =	vst v1;
	v1 =	vmul.f32 $8.000000000e+00, v3  }
0x98: {  	v3 =	vld [tilespmem:s28+$0xFFFFFF40];
	v4 =	vmul.f32 $8.000000000e+00, v4;
	[tilespmem:s25+$0xD0] =	vst v0  }
0x99: {  	v0 =	vld [tilespmem:s28+$0xFFFFFF50];
	v7 =	vmul.f32 $8.000000000e+00, v7;
	[tilespmem:s25+$0xE0] =	vst v1  }
0x9a: {  	v1 =	vmul.f32 $8.000000000e+00, v5;
	v5 =	vld [tilespmem:s28+$0xFFFFFF60];
	[tilespmem:s25+$0xFFFFFF00] =	vst v4;
	s25 =	smov.u32 s28  }
0x9b: {  	v4 =	vmul.f32 $8.000000000e+00, v6;
	v6 =	vld [tilespmem:s28+$0xFFFFFF70];
	[tilespmem:s28+$0xF0] =	vst v7  }
0x9c: {  	[tilespmem:s28+$0xFFFFFF10] =	vst v1;
	v1 =	vmul.f32 $8.000000000e+00, v2;
	v2 =	vld [tilespmem:s28+$0xFFFFFF80]  }
0x9d: {  	[tilespmem:s28+$0xFFFFFF20] =	vst v4;
	v3 =	vmul.f32 $8.000000000e+00, v3;
	v4 =	vld [tilespmem:s28+$0xFFFFFF90]  }
0x9e: {  	[tilespmem:s28+$0xFFFFFF30] =	vst v1;
	v0 =	vmul.f32 $8.000000000e+00, v0;
	v1 =	vld [tilespmem:s28+$0xFFFFFFA0]  }
0x9f: {  	[tilespmem:s28+$0xFFFFFF40] =	vst v3;
	v3 =	vmul.f32 $8.000000000e+00, v5;
	v5 =	vld [tilespmem:s28+$0xFFFFFFB0]  }
0xa0: {  	[tilespmem:s28+$0xFFFFFF50] =	vst v0;
	v0 =	vmul.f32 $8.000000000e+00, v6;
	v6 =	vld [tilespmem:s28+$0xFFFFFFC0]  }
0xa1: {  	[tilespmem:s28+$0xFFFFFF60] =	vst v3;
	v2 =	vmul.f32 $8.000000000e+00, v2;
	v3 =	vld [tilespmem:s28+$0xFFFFFFD0]  }
0xa2: {  	[tilespmem:s28+$0xFFFFFF70] =	vst v0;
	v0 =	vmul.f32 $8.000000000e+00, v4;
	v4 =	vld [tilespmem:s28+$0xFFFFFFE0]  }
0xa3: {  	[tilespmem:s28+$0xFFFFFF80] =	vst v2;
	v1 =	vmul.f32 $8.000000000e+00, v1;
	v2 =	vld [tilespmem:s28+$0xFFFFFFF0]  }
0xa4: {  	[tilespmem:s28+$0xFFFFFF90] =	vst v0;
	v0 =	vmul.f32 $8.000000000e+00, v5;
	v5 =	vld [tilespmem:s28+$0x0]  }
0xa5: {  	[tilespmem:s28+$0xFFFFFFA0] =	vst v1;
	v1 =	vmul.f32 $8.000000000e+00, v6;
	v6 =	vld [tilespmem:s28+$0x10]  }
0xa6: {  	[tilespmem:s28+$0xFFFFFFB0] =	vst v0;
	v0 =	vmul.f32 $8.000000000e+00, v3;
	v3 =	vld [tilespmem:s28+$0x20]  }
0xa7: {  	[tilespmem:s28+$0xFFFFFFC0] =	vst v1;
	v1 =	vmul.f32 $8.000000000e+00, v4;
	v4 =	vld [tilespmem:s28+$0x30]  }
0xa8: {  	[tilespmem:s28+$0xFFFFFFD0] =	vst v0;
	v0 =	vmul.f32 $8.000000000e+00, v2;
	v2 =	vld [tilespmem:s28+$0x40]  }
0xa9: {  	[tilespmem:s28+$0xFFFFFFE0] =	vst v1;
	v1 =	vmul.f32 $8.000000000e+00, v5;
	v5 =	vld [tilespmem:s28+$0x50]  }
0xaa: {  	[tilespmem:s28+$0xFFFFFFF0] =	vst v0;
	v0 =	vmul.f32 $8.000000000e+00, v6;
	v6 =	vld [tilespmem:s28+$0x60]  }
0xab: {  	[tilespmem:s28+$0x0] =	vst v1;
	v1 =	vmul.f32 $8.000000000e+00, v3;
	v3 =	vld [tilespmem:s28+$0x70]  }
0xac: {  	[tilespmem:s28+$0x10] =	vst v0;
	v0 =	vmul.f32 $8.000000000e+00, v4;
	v4 =	vld [tilespmem:s28+$0x80]  }
0xad: {  	[tilespmem:s28+$0x20] =	vst v1;
	v1 =	vmul.f32 $8.000000000e+00, v2;
	v7 =	vld [tilespmem:s28+$0x90]  }
0xae: {  	[tilespmem:s28+$0x30] =	vst v0;
	v2 =	vmul.f32 $8.000000000e+00, v5;
	v8 =	vld [tilespmem:s28+$0xA0]  }
.Ltmp3:
0xaf: {  	[tilespmem:s28+$0x40] =	vst v1;
	v5 =	vmul.f32 $8.000000000e+00, v6;
	v0 =	vld [tilespmem:s28+$0xB0];
	(pc) =	sbr.rel @p0 .LBB2_5-.Ltmp3, $4  }
0xb0: {  	[tilespmem:s28+$0x50] =	vst v2;
	v3 =	vmul.f32 $8.000000000e+00, v3;
	v1 =	vld [tilespmem:s28+$0xC0]  }
0xb1: {  	[tilespmem:s28+$0x60] =	vst v5;
	v6 =	vmul.f32 $8.000000000e+00, v4;
	v2 =	vld [tilespmem:s28+$0xD0]  }
0xb2: {  	[tilespmem:s28+$0x70] =	vst v3;
	v5 =	vmul.f32 $8.000000000e+00, v7;
	v3 =	vld [tilespmem:s28+$0xE0]  }
0xb3: {  	s28 =	sadd.s32 $0x200, s28;
	v4 =	vld [tilespmem:s25+$0xFFFFFF00];
	[tilespmem:s25+$0x80] =	vst v6;
	v6 =	vmul.f32 $8.000000000e+00, v8  }
0xb4: {  	[tilespmem:s25+$0x90] =	vst v5;
	v0 =	vmul.f32 $8.000000000e+00, v0  }
0xb5: {  	[tilespmem:s25+$0xA0] =	vst v6;
	v1 =	vmul.f32 $8.000000000e+00, v1  }
0xb6: {  	[tilespmem:s25+$0xB0] =	vst v0;
	v0 =	vmul.f32 $8.000000000e+00, v2  }
0xb7: {  	[tilespmem:s25+$0xC0] =	vst v1;
	v1 =	vmul.f32 $8.000000000e+00, v3  }
0xb8: {  	s26 =	sadd.s32 s24, s7;
	v2 =	vmul.f32 $8.000000000e+00, v4;
	[tilespmem:s25+$0xD0] =	vst v0  }
0xb9: {  	p0 =	seq.s32 s22, $0x18;
	s26 =	sshrl.u32 s26, $0x3;
	[tilespmem:s25+$0xE0] =	vst v1  }
0xba: {  	s31 =	sadd.s32 s2, s26;
	[tilespmem:s25+$0xFFFFFF00] =	vst v2;
	s25 =	simm.s32 @!p0 $0x1  }
0xbb: {  	[hbm4b:s31+s3] =	stream.linear.scatter [tilespmem:s13], [sflag:$0x2], $0x4000, $0x38;
	[tilespmem:$0x16400] =	vst v63  }
0xbc: {  	_ =	swait.ge @!p0 [sflag:s25], $0x4000  }
0xbd: {  	s26 =	sshll.u32 @!p0 s22, $0xA;
	[sflag:s25] =	ssyncset.done @!p0 $0x0  }
0xbe: {  	[sflag:s25] =	ssyncadd.s32 @!p0 $0xFFFFC000;
	s25 =	sand.u32 @!p0 $0x3FFFFC00, s26  }
0xbf: {  	s28 =	simm.s32 @!p0 $0x100;
	s29 =	simm.s32 @!p0 $0x6400;
	s26 =	sadd.s32 @!p0 $0x400, s25  }
0xc0: {  	[tilespmem:s29], [sflag:$0x1] =	stream.indirect.gather @!p0 [hbm4b:s5+s28], $0x40, s26, s28, $0xb8;
	[tilespmem:$0x16400] =	vst v63  }
0xc1: {  	_ =	swait.ge [sflag:s19], $0x4000  }
0xc2: {  	[sflag:s19] =	ssyncset.done $0x0  }
0xc3: {  	s26 =	simm.s32 $0xE500;
	[sflag:s19] =	ssyncadd.s32 $0xFFFFC000  }
0xc4: {  	v0 =	vld [tilespmem:s26+$0xF0]  }
0xc5: {  	v1 =	vld [tilespmem:s26+$0xFFFFFF10]  }
0xc6: {  	v2 =	vld [tilespmem:s26+$0xFFFFFF20]  }
0xc7: {  	v3 =	vld [tilespmem:s26+$0xFFFFFF30]  }
0xc8: {  	v4 =	vld [tilespmem:s26+$0xFFFFFF40]  }
0xc9: {  	v5 =	vld [tilespmem:s26+$0xFFFFFF50];
	v0 =	vmul.f32 $8.000000000e+00, v0  }
0xca: {  	v6 =	vld [tilespmem:s26+$0xFFFFFF60];
	v1 =	vmul.f32 $8.000000000e+00, v1  }
0xcb: {  	v7 =	vld [tilespmem:s26+$0xFFFFFF70];
	v2 =	vmul.f32 $8.000000000e+00, v2;
	[tilespmem:s26+$0xF0] =	vst v0  }
0xcc: {  	[tilespmem:s26+$0xFFFFFF10] =	vst v1;
	v0 =	vmul.f32 $8.000000000e+00, v3;
	v1 =	vld [tilespmem:s26+$0xFFFFFF80]  }
0xcd: {  	[tilespmem:s26+$0xFFFFFF20] =	vst v2;
	v2 =	vmul.f32 $8.000000000e+00, v4;
	v3 =	vld [tilespmem:s26+$0xFFFFFF90]  }
0xce: {  	v4 =	vld [tilespmem:s26+$0xFFFFFFA0];
	[tilespmem:s26+$0xFFFFFF30] =	vst v0;
	v0 =	vmul.f32 $8.000000000e+00, v5  }
0xcf: {  	[tilespmem:s26+$0xFFFFFF40] =	vst v2;
	v2 =	vmul.f32 $8.000000000e+00, v6;
	v5 =	vld [tilespmem:s26+$0xFFFFFFB0]  }
0xd0: {  	v6 =	vld [tilespmem:s26+$0xFFFFFFC0];
	[tilespmem:s26+$0xFFFFFF50] =	vst v0;
	v0 =	vmul.f32 $8.000000000e+00, v7  }
0xd1: {  	[tilespmem:s26+$0xFFFFFF60] =	vst v2;
	v2 =	vld [tilespmem:s26+$0xFFFFFFD0];
	v1 =	vmul.f32 $8.000000000e+00, v1  }
0xd2: {  	[tilespmem:s26+$0xFFFFFF70] =	vst v0;
	v0 =	vmul.f32 $8.000000000e+00, v3;
	v3 =	vld [tilespmem:s26+$0xFFFFFFE0]  }
0xd3: {  	[tilespmem:s26+$0xFFFFFF80] =	vst v1;
	v1 =	vmul.f32 $8.000000000e+00, v4;
	v4 =	vld [tilespmem:s26+$0xFFFFFFF0]  }
0xd4: {  	[tilespmem:s26+$0xFFFFFF90] =	vst v0;
	v0 =	vmul.f32 $8.000000000e+00, v5;
	v5 =	vld [tilespmem:s26+$0x0]  }
0xd5: {  	[tilespmem:s26+$0xFFFFFFA0] =	vst v1;
	v1 =	vmul.f32 $8.000000000e+00, v6;
	v6 =	vld [tilespmem:s26+$0x10]  }
0xd6: {  	[tilespmem:s26+$0xFFFFFFB0] =	vst v0;
	v0 =	vmul.f32 $8.000000000e+00, v2;
	v2 =	vld [tilespmem:s26+$0x20]  }
0xd7: {  	[tilespmem:s26+$0xFFFFFFC0] =	vst v1;
	v1 =	vmul.f32 $8.000000000e+00, v3;
	v3 =	vld [tilespmem:s26+$0x30]  }
0xd8: {  	[tilespmem:s26+$0xFFFFFFD0] =	vst v0;
	v0 =	vmul.f32 $8.000000000e+00, v4;
	v4 =	vld [tilespmem:s26+$0x40]  }
0xd9: {  	[tilespmem:s26+$0xFFFFFFE0] =	vst v1;
	v1 =	vmul.f32 $8.000000000e+00, v5;
	v5 =	vld [tilespmem:s26+$0x50]  }
0xda: {  	[tilespmem:s26+$0xFFFFFFF0] =	vst v0;
	v0 =	vmul.f32 $8.000000000e+00, v6;
	v6 =	vld [tilespmem:s26+$0x60]  }
0xdb: {  	[tilespmem:s26+$0x0] =	vst v1;
	v1 =	vmul.f32 $8.000000000e+00, v2;
	v2 =	vld [tilespmem:s26+$0x70]  }
0xdc: {  	[tilespmem:s26+$0x10] =	vst v0;
	v0 =	vmul.f32 $8.000000000e+00, v3;
	v3 =	vld [tilespmem:s26+$0x80]  }
0xdd: {  	[tilespmem:s26+$0x20] =	vst v1;
	v1 =	vmul.f32 $8.000000000e+00, v4;
	v4 =	vld [tilespmem:s26+$0x90]  }
0xde: {  	v7 =	vld [tilespmem:s26+$0xA0];
	[tilespmem:s26+$0x30] =	vst v0;
	v5 =	vmul.f32 $8.000000000e+00, v5  }
0xdf: {  	v0 =	vld [tilespmem:s26+$0xB0];
	[tilespmem:s26+$0x40] =	vst v1;
	v6 =	vmul.f32 $8.000000000e+00, v6  }
0xe0: {  	v1 =	vld [tilespmem:s26+$0xC0];
	[tilespmem:s26+$0x50] =	vst v5;
	v5 =	vmul.f32 $8.000000000e+00, v2  }
0xe1: {  	v2 =	vld [tilespmem:s26+$0xD0];
	[tilespmem:s26+$0x60] =	vst v6;
	v6 =	vmul.f32 $8.000000000e+00, v3  }
0xe2: {  	v3 =	vld [tilespmem:s26+$0xE0];
	[tilespmem:s26+$0x70] =	vst v5;
	v5 =	vmul.f32 $8.000000000e+00, v4  }
0xe3: {  	s28 =	simm.s32 $0x0;
	s29 =	simm.s32 $0xE700;
	v4 =	vld [tilespmem:s26+$0xFFFFFF00];
	[tilespmem:s26+$0x80] =	vst v6;
	v6 =	vmul.f32 $8.000000000e+00, v7  }
.LBB2_7:
0xe4: {  	v7 =	vld [tilespmem:s29+$0xF0];
	s28 =	sadd.s32 $0x8, s28;
	[tilespmem:s26+$0x90] =	vst v5;
	v0 =	vmul.f32 $8.000000000e+00, v0  }
0xe5: {  	v5 =	vld [tilespmem:s29+$0xFFFFFF10];
	p1 =	slt.u32 s28, $0xF8;
	[tilespmem:s26+$0xA0] =	vst v6;
	v1 =	vmul.f32 $8.000000000e+00, v1  }
0xe6: {  	v6 =	vld [tilespmem:s29+$0xFFFFFF20];
	[tilespmem:s26+$0xB0] =	vst v0;
	v0 =	vmul.f32 $8.000000000e+00, v2  }
0xe7: {  	v2 =	vld [tilespmem:s29+$0xFFFFFF30];
	[tilespmem:s26+$0xC0] =	vst v1;
	v1 =	vmul.f32 $8.000000000e+00, v3  }
0xe8: {  	v3 =	vld [tilespmem:s29+$0xFFFFFF40];
	v4 =	vmul.f32 $8.000000000e+00, v4;
	[tilespmem:s26+$0xD0] =	vst v0  }
0xe9: {  	v0 =	vld [tilespmem:s29+$0xFFFFFF50];
	v7 =	vmul.f32 $8.000000000e+00, v7;
	[tilespmem:s26+$0xE0] =	vst v1  }
0xea: {  	v1 =	vmul.f32 $8.000000000e+00, v5;
	v5 =	vld [tilespmem:s29+$0xFFFFFF60];
	[tilespmem:s26+$0xFFFFFF00] =	vst v4;
	s26 =	smov.u32 s29  }
0xeb: {  	v4 =	vmul.f32 $8.000000000e+00, v6;
	v6 =	vld [tilespmem:s29+$0xFFFFFF70];
	[tilespmem:s29+$0xF0] =	vst v7  }
0xec: {  	[tilespmem:s29+$0xFFFFFF10] =	vst v1;
	v1 =	vmul.f32 $8.000000000e+00, v2;
	v2 =	vld [tilespmem:s29+$0xFFFFFF80]  }
0xed: {  	[tilespmem:s29+$0xFFFFFF20] =	vst v4;
	v3 =	vmul.f32 $8.000000000e+00, v3;
	v4 =	vld [tilespmem:s29+$0xFFFFFF90]  }
0xee: {  	[tilespmem:s29+$0xFFFFFF30] =	vst v1;
	v0 =	vmul.f32 $8.000000000e+00, v0;
	v1 =	vld [tilespmem:s29+$0xFFFFFFA0]  }
0xef: {  	[tilespmem:s29+$0xFFFFFF40] =	vst v3;
	v3 =	vmul.f32 $8.000000000e+00, v5;
	v5 =	vld [tilespmem:s29+$0xFFFFFFB0]  }
0xf0: {  	[tilespmem:s29+$0xFFFFFF50] =	vst v0;
	v0 =	vmul.f32 $8.000000000e+00, v6;
	v6 =	vld [tilespmem:s29+$0xFFFFFFC0]  }
0xf1: {  	[tilespmem:s29+$0xFFFFFF60] =	vst v3;
	v2 =	vmul.f32 $8.000000000e+00, v2;
	v3 =	vld [tilespmem:s29+$0xFFFFFFD0]  }
0xf2: {  	[tilespmem:s29+$0xFFFFFF70] =	vst v0;
	v0 =	vmul.f32 $8.000000000e+00, v4;
	v4 =	vld [tilespmem:s29+$0xFFFFFFE0]  }
0xf3: {  	[tilespmem:s29+$0xFFFFFF80] =	vst v2;
	v1 =	vmul.f32 $8.000000000e+00, v1;
	v2 =	vld [tilespmem:s29+$0xFFFFFFF0]  }
0xf4: {  	[tilespmem:s29+$0xFFFFFF90] =	vst v0;
	v0 =	vmul.f32 $8.000000000e+00, v5;
	v5 =	vld [tilespmem:s29+$0x0]  }
0xf5: {  	[tilespmem:s29+$0xFFFFFFA0] =	vst v1;
	v1 =	vmul.f32 $8.000000000e+00, v6;
	v6 =	vld [tilespmem:s29+$0x10]  }
0xf6: {  	[tilespmem:s29+$0xFFFFFFB0] =	vst v0;
	v0 =	vmul.f32 $8.000000000e+00, v3;
	v3 =	vld [tilespmem:s29+$0x20]  }
0xf7: {  	[tilespmem:s29+$0xFFFFFFC0] =	vst v1;
	v1 =	vmul.f32 $8.000000000e+00, v4;
	v4 =	vld [tilespmem:s29+$0x30]  }
0xf8: {  	[tilespmem:s29+$0xFFFFFFD0] =	vst v0;
	v0 =	vmul.f32 $8.000000000e+00, v2;
	v2 =	vld [tilespmem:s29+$0x40]  }
0xf9: {  	[tilespmem:s29+$0xFFFFFFE0] =	vst v1;
	v1 =	vmul.f32 $8.000000000e+00, v5;
	v5 =	vld [tilespmem:s29+$0x50]  }
0xfa: {  	[tilespmem:s29+$0xFFFFFFF0] =	vst v0;
	v0 =	vmul.f32 $8.000000000e+00, v6;
	v6 =	vld [tilespmem:s29+$0x60]  }
0xfb: {  	[tilespmem:s29+$0x0] =	vst v1;
	v1 =	vmul.f32 $8.000000000e+00, v3;
	v3 =	vld [tilespmem:s29+$0x70]  }
0xfc: {  	[tilespmem:s29+$0x10] =	vst v0;
	v0 =	vmul.f32 $8.000000000e+00, v4;
	v4 =	vld [tilespmem:s29+$0x80]  }
0xfd: {  	[tilespmem:s29+$0x20] =	vst v1;
	v1 =	vmul.f32 $8.000000000e+00, v2;
	v7 =	vld [tilespmem:s29+$0x90]  }
0xfe: {  	[tilespmem:s29+$0x30] =	vst v0;
	v2 =	vmul.f32 $8.000000000e+00, v5;
	v8 =	vld [tilespmem:s29+$0xA0]  }
.Ltmp4:
0xff: {  	[tilespmem:s29+$0x40] =	vst v1;
	v5 =	vmul.f32 $8.000000000e+00, v6;
	v0 =	vld [tilespmem:s29+$0xB0];
	(pc) =	sbr.rel @p1 .LBB2_7-.Ltmp4, $4  }
0x100: {  	[tilespmem:s29+$0x50] =	vst v2;
	v3 =	vmul.f32 $8.000000000e+00, v3;
	v1 =	vld [tilespmem:s29+$0xC0]  }
0x101: {  	[tilespmem:s29+$0x60] =	vst v5;
	v6 =	vmul.f32 $8.000000000e+00, v4;
	v2 =	vld [tilespmem:s29+$0xD0]  }
0x102: {  	[tilespmem:s29+$0x70] =	vst v3;
	v5 =	vmul.f32 $8.000000000e+00, v7;
	v3 =	vld [tilespmem:s29+$0xE0]  }
0x103: {  	s29 =	sadd.s32 $0x200, s29;
	v4 =	vld [tilespmem:s26+$0xFFFFFF00];
	[tilespmem:s26+$0x80] =	vst v6;
	v6 =	vmul.f32 $8.000000000e+00, v8  }
0x104: {  	[tilespmem:s26+$0x90] =	vst v5;
	v0 =	vmul.f32 $8.000000000e+00, v0  }
0x105: {  	[tilespmem:s26+$0xA0] =	vst v6;
	v1 =	vmul.f32 $8.000000000e+00, v1  }
0x106: {  	[tilespmem:s26+$0xB0] =	vst v0;
	v0 =	vmul.f32 $8.000000000e+00, v2  }
0x107: {  	[tilespmem:s26+$0xC0] =	vst v1;
	v1 =	vmul.f32 $8.000000000e+00, v3  }
0x108: {  	s24 =	sadd.s32 s24, s8;
	v2 =	vmul.f32 $8.000000000e+00, v4;
	[tilespmem:s26+$0xD0] =	vst v0  }
0x109: {  	s24 =	sshrl.u32 s24, $0x3;
	[tilespmem:s26+$0xE0] =	vst v1  }
0x10a: {  	s24 =	sadd.s32 s2, s24;
	[tilespmem:s26+$0xFFFFFF00] =	vst v2  }
0x10b: {  	[hbm4b:s24+s3] =	stream.linear.scatter [tilespmem:s15], [sflag:$0x3], $0x4000, $0x38;
	[tilespmem:$0x16400] =	vst v63  }
0x10c: {  	s24 =	simm.s32 @!p0 $0x2  }
0x10d: {  	_ =	swait.ge @!p0 [sflag:s24], $0x4000  }
0x10e: {  	s26 =	simm.s32 @!p0 $0xA400;
	[sflag:s24] =	ssyncset.done @!p0 $0x0  }
0x10f: {  	[sflag:s24] =	ssyncadd.s32 @!p0 $0xFFFFC000;
	s24 =	sadd.s32 @!p0 $0x500, s25;
	s25 =	simm.s32 @!p0 $0x100  }
0x110: {  	[tilespmem:s26], [sflag:$0x2] =	stream.indirect.gather @!p0 [hbm4b:s5+s25], $0x40, s24, s25, $0xb8;
	[tilespmem:$0x16400] =	vst v63  }
0x111: {  	_ =	swait.ge [sflag:s20], $0x4000  }
0x112: {  	[sflag:s20] =	ssyncset.done $0x0  }
0x113: {  	s24 =	simm.s32 $0x12500;
	[sflag:s20] =	ssyncadd.s32 $0xFFFFC000  }
0x114: {  	v0 =	vld [tilespmem:s24+$0xF0]  }
0x115: {  	v1 =	vld [tilespmem:s24+$0xFFFFFF10]  }
0x116: {  	v2 =	vld [tilespmem:s24+$0xFFFFFF20]  }
0x117: {  	v3 =	vld [tilespmem:s24+$0xFFFFFF30]  }
0x118: {  	v4 =	vld [tilespmem:s24+$0xFFFFFF40]  }
0x119: {  	v5 =	vld [tilespmem:s24+$0xFFFFFF50];
	v0 =	vmul.f32 $8.000000000e+00, v0  }
0x11a: {  	v6 =	vld [tilespmem:s24+$0xFFFFFF60];
	v1 =	vmul.f32 $8.000000000e+00, v1  }
0x11b: {  	v7 =	vld [tilespmem:s24+$0xFFFFFF70];
	v2 =	vmul.f32 $8.000000000e+00, v2;
	[tilespmem:s24+$0xF0] =	vst v0  }
0x11c: {  	[tilespmem:s24+$0xFFFFFF10] =	vst v1;
	v0 =	vmul.f32 $8.000000000e+00, v3;
	v1 =	vld [tilespmem:s24+$0xFFFFFF80]  }
0x11d: {  	[tilespmem:s24+$0xFFFFFF20] =	vst v2;
	v2 =	vmul.f32 $8.000000000e+00, v4;
	v3 =	vld [tilespmem:s24+$0xFFFFFF90]  }
0x11e: {  	v4 =	vld [tilespmem:s24+$0xFFFFFFA0];
	[tilespmem:s24+$0xFFFFFF30] =	vst v0;
	v0 =	vmul.f32 $8.000000000e+00, v5  }
0x11f: {  	[tilespmem:s24+$0xFFFFFF40] =	vst v2;
	v2 =	vmul.f32 $8.000000000e+00, v6;
	v5 =	vld [tilespmem:s24+$0xFFFFFFB0]  }
0x120: {  	v6 =	vld [tilespmem:s24+$0xFFFFFFC0];
	[tilespmem:s24+$0xFFFFFF50] =	vst v0;
	v0 =	vmul.f32 $8.000000000e+00, v7  }
0x121: {  	[tilespmem:s24+$0xFFFFFF60] =	vst v2;
	v2 =	vld [tilespmem:s24+$0xFFFFFFD0];
	v1 =	vmul.f32 $8.000000000e+00, v1  }
0x122: {  	[tilespmem:s24+$0xFFFFFF70] =	vst v0;
	v0 =	vmul.f32 $8.000000000e+00, v3;
	v3 =	vld [tilespmem:s24+$0xFFFFFFE0]  }
0x123: {  	[tilespmem:s24+$0xFFFFFF80] =	vst v1;
	v1 =	vmul.f32 $8.000000000e+00, v4;
	v4 =	vld [tilespmem:s24+$0xFFFFFFF0]  }
0x124: {  	[tilespmem:s24+$0xFFFFFF90] =	vst v0;
	v0 =	vmul.f32 $8.000000000e+00, v5;
	v5 =	vld [tilespmem:s24+$0x0]  }
0x125: {  	[tilespmem:s24+$0xFFFFFFA0] =	vst v1;
	v1 =	vmul.f32 $8.000000000e+00, v6;
	v6 =	vld [tilespmem:s24+$0x10]  }
0x126: {  	[tilespmem:s24+$0xFFFFFFB0] =	vst v0;
	v0 =	vmul.f32 $8.000000000e+00, v2;
	v2 =	vld [tilespmem:s24+$0x20]  }
0x127: {  	[tilespmem:s24+$0xFFFFFFC0] =	vst v1;
	v1 =	vmul.f32 $8.000000000e+00, v3;
	v3 =	vld [tilespmem:s24+$0x30]  }
0x128: {  	[tilespmem:s24+$0xFFFFFFD0] =	vst v0;
	v0 =	vmul.f32 $8.000000000e+00, v4;
	v4 =	vld [tilespmem:s24+$0x40]  }
0x129: {  	[tilespmem:s24+$0xFFFFFFE0] =	vst v1;
	v1 =	vmul.f32 $8.000000000e+00, v5;
	v5 =	vld [tilespmem:s24+$0x50]  }
0x12a: {  	[tilespmem:s24+$0xFFFFFFF0] =	vst v0;
	v0 =	vmul.f32 $8.000000000e+00, v6;
	v6 =	vld [tilespmem:s24+$0x60]  }
0x12b: {  	[tilespmem:s24+$0x0] =	vst v1;
	v1 =	vmul.f32 $8.000000000e+00, v2;
	v2 =	vld [tilespmem:s24+$0x70]  }
0x12c: {  	[tilespmem:s24+$0x10] =	vst v0;
	v0 =	vmul.f32 $8.000000000e+00, v3;
	v3 =	vld [tilespmem:s24+$0x80]  }
0x12d: {  	[tilespmem:s24+$0x20] =	vst v1;
	v1 =	vmul.f32 $8.000000000e+00, v4;
	v4 =	vld [tilespmem:s24+$0x90]  }
0x12e: {  	v7 =	vld [tilespmem:s24+$0xA0];
	[tilespmem:s24+$0x30] =	vst v0;
	v5 =	vmul.f32 $8.000000000e+00, v5  }
0x12f: {  	v0 =	vld [tilespmem:s24+$0xB0];
	[tilespmem:s24+$0x40] =	vst v1;
	v6 =	vmul.f32 $8.000000000e+00, v6  }
0x130: {  	v1 =	vld [tilespmem:s24+$0xC0];
	[tilespmem:s24+$0x50] =	vst v5;
	v5 =	vmul.f32 $8.000000000e+00, v2  }
0x131: {  	v2 =	vld [tilespmem:s24+$0xD0];
	[tilespmem:s24+$0x60] =	vst v6;
	v6 =	vmul.f32 $8.000000000e+00, v3  }
0x132: {  	v3 =	vld [tilespmem:s24+$0xE0];
	[tilespmem:s24+$0x70] =	vst v5;
	v5 =	vmul.f32 $8.000000000e+00, v4  }
0x133: {  	s25 =	simm.s32 $0x0;
	s26 =	simm.s32 $0x12700;
	v4 =	vld [tilespmem:s24+$0xFFFFFF00];
	[tilespmem:s24+$0x80] =	vst v6;
	v6 =	vmul.f32 $8.000000000e+00, v7  }
.LBB2_9:
0x134: {  	v7 =	vld [tilespmem:s26+$0xF0];
	s25 =	sadd.s32 $0x8, s25;
	[tilespmem:s24+$0x90] =	vst v5;
	v0 =	vmul.f32 $8.000000000e+00, v0  }
0x135: {  	v5 =	vld [tilespmem:s26+$0xFFFFFF10];
	p1 =	slt.u32 s25, $0xF8;
	[tilespmem:s24+$0xA0] =	vst v6;
	v1 =	vmul.f32 $8.000000000e+00, v1  }
0x136: {  	v6 =	vld [tilespmem:s26+$0xFFFFFF20];
	[tilespmem:s24+$0xB0] =	vst v0;
	v0 =	vmul.f32 $8.000000000e+00, v2  }
0x137: {  	v2 =	vld [tilespmem:s26+$0xFFFFFF30];
	[tilespmem:s24+$0xC0] =	vst v1;
	v1 =	vmul.f32 $8.000000000e+00, v3  }
0x138: {  	v3 =	vld [tilespmem:s26+$0xFFFFFF40];
	v4 =	vmul.f32 $8.000000000e+00, v4;
	[tilespmem:s24+$0xD0] =	vst v0  }
0x139: {  	v0 =	vld [tilespmem:s26+$0xFFFFFF50];
	v7 =	vmul.f32 $8.000000000e+00, v7;
	[tilespmem:s24+$0xE0] =	vst v1  }
0x13a: {  	v1 =	vmul.f32 $8.000000000e+00, v5;
	v5 =	vld [tilespmem:s26+$0xFFFFFF60];
	[tilespmem:s24+$0xFFFFFF00] =	vst v4;
	s24 =	smov.u32 s26  }
0x13b: {  	v4 =	vmul.f32 $8.000000000e+00, v6;
	v6 =	vld [tilespmem:s26+$0xFFFFFF70];
	[tilespmem:s26+$0xF0] =	vst v7  }
0x13c: {  	[tilespmem:s26+$0xFFFFFF10] =	vst v1;
	v1 =	vmul.f32 $8.000000000e+00, v2;
	v2 =	vld [tilespmem:s26+$0xFFFFFF80]  }
0x13d: {  	[tilespmem:s26+$0xFFFFFF20] =	vst v4;
	v3 =	vmul.f32 $8.000000000e+00, v3;
	v4 =	vld [tilespmem:s26+$0xFFFFFF90]  }
0x13e: {  	[tilespmem:s26+$0xFFFFFF30] =	vst v1;
	v0 =	vmul.f32 $8.000000000e+00, v0;
	v1 =	vld [tilespmem:s26+$0xFFFFFFA0]  }
0x13f: {  	[tilespmem:s26+$0xFFFFFF40] =	vst v3;
	v3 =	vmul.f32 $8.000000000e+00, v5;
	v5 =	vld [tilespmem:s26+$0xFFFFFFB0]  }
0x140: {  	[tilespmem:s26+$0xFFFFFF50] =	vst v0;
	v0 =	vmul.f32 $8.000000000e+00, v6;
	v6 =	vld [tilespmem:s26+$0xFFFFFFC0]  }
0x141: {  	[tilespmem:s26+$0xFFFFFF60] =	vst v3;
	v2 =	vmul.f32 $8.000000000e+00, v2;
	v3 =	vld [tilespmem:s26+$0xFFFFFFD0]  }
0x142: {  	[tilespmem:s26+$0xFFFFFF70] =	vst v0;
	v0 =	vmul.f32 $8.000000000e+00, v4;
	v4 =	vld [tilespmem:s26+$0xFFFFFFE0]  }
0x143: {  	[tilespmem:s26+$0xFFFFFF80] =	vst v2;
	v1 =	vmul.f32 $8.000000000e+00, v1;
	v2 =	vld [tilespmem:s26+$0xFFFFFFF0]  }
0x144: {  	[tilespmem:s26+$0xFFFFFF90] =	vst v0;
	v0 =	vmul.f32 $8.000000000e+00, v5;
	v5 =	vld [tilespmem:s26+$0x0]  }
0x145: {  	[tilespmem:s26+$0xFFFFFFA0] =	vst v1;
	v1 =	vmul.f32 $8.000000000e+00, v6;
	v6 =	vld [tilespmem:s26+$0x10]  }
0x146: {  	[tilespmem:s26+$0xFFFFFFB0] =	vst v0;
	v0 =	vmul.f32 $8.000000000e+00, v3;
	v3 =	vld [tilespmem:s26+$0x20]  }
0x147: {  	[tilespmem:s26+$0xFFFFFFC0] =	vst v1;
	v1 =	vmul.f32 $8.000000000e+00, v4;
	v4 =	vld [tilespmem:s26+$0x30]  }
0x148: {  	[tilespmem:s26+$0xFFFFFFD0] =	vst v0;
	v0 =	vmul.f32 $8.000000000e+00, v2;
	v2 =	vld [tilespmem:s26+$0x40]  }
0x149: {  	[tilespmem:s26+$0xFFFFFFE0] =	vst v1;
	v1 =	vmul.f32 $8.000000000e+00, v5;
	v5 =	vld [tilespmem:s26+$0x50]  }
0x14a: {  	[tilespmem:s26+$0xFFFFFFF0] =	vst v0;
	v0 =	vmul.f32 $8.000000000e+00, v6;
	v6 =	vld [tilespmem:s26+$0x60]  }
0x14b: {  	[tilespmem:s26+$0x0] =	vst v1;
	v1 =	vmul.f32 $8.000000000e+00, v3;
	v3 =	vld [tilespmem:s26+$0x70]  }
0x14c: {  	[tilespmem:s26+$0x10] =	vst v0;
	v0 =	vmul.f32 $8.000000000e+00, v4;
	v4 =	vld [tilespmem:s26+$0x80]  }
0x14d: {  	[tilespmem:s26+$0x20] =	vst v1;
	v1 =	vmul.f32 $8.000000000e+00, v2;
	v7 =	vld [tilespmem:s26+$0x90]  }
0x14e: {  	[tilespmem:s26+$0x30] =	vst v0;
	v2 =	vmul.f32 $8.000000000e+00, v5;
	v8 =	vld [tilespmem:s26+$0xA0]  }
.Ltmp5:
0x14f: {  	[tilespmem:s26+$0x40] =	vst v1;
	v5 =	vmul.f32 $8.000000000e+00, v6;
	v0 =	vld [tilespmem:s26+$0xB0];
	(pc) =	sbr.rel @p1 .LBB2_9-.Ltmp5, $4  }
0x150: {  	[tilespmem:s26+$0x50] =	vst v2;
	v3 =	vmul.f32 $8.000000000e+00, v3;
	v1 =	vld [tilespmem:s26+$0xC0]  }
0x151: {  	[tilespmem:s26+$0x60] =	vst v5;
	v6 =	vmul.f32 $8.000000000e+00, v4;
	v2 =	vld [tilespmem:s26+$0xD0]  }
0x152: {  	[tilespmem:s26+$0x70] =	vst v3;
	v5 =	vmul.f32 $8.000000000e+00, v7;
	v3 =	vld [tilespmem:s26+$0xE0]  }
0x153: {  	s26 =	sadd.s32 $0x200, s26;
	v4 =	vld [tilespmem:s24+$0xFFFFFF00];
	[tilespmem:s24+$0x80] =	vst v6;
	v6 =	vmul.f32 $8.000000000e+00, v8  }
0x154: {  	[tilespmem:s24+$0x90] =	vst v5;
	v0 =	vmul.f32 $8.000000000e+00, v0  }
0x155: {  	[tilespmem:s24+$0xA0] =	vst v6;
	v1 =	vmul.f32 $8.000000000e+00, v1  }
0x156: {  	[tilespmem:s24+$0xB0] =	vst v0;
	v61 =	vmul.f32 $8.000000000e+00, v2  }
.Ltmp6:
0x157: {  	s23 =	sshll.u32 s23, $0xE;
	[tilespmem:s24+$0xC0] =	vst v1;
	v62 =	vmul.f32 $8.000000000e+00, v3;
	(pc) =	sbr.rel @p0 .LBB2_12-.Ltmp6, $4  }
0x158: {  	s23 =	sadd.s32 s4, s23;
	v63 =	vmul.f32 $8.000000000e+00, v4;
	[tilespmem:s24+$0xD0] =	vst v61  }
0x159: {  	s23 =	sshrl.u32 s23, $0x3;
	[tilespmem:s24+$0xE0] =	vst v62  }
0x15a: {  	s23 =	sadd.s32 s2, s23;
	[tilespmem:s24+$0xFFFFFF00] =	vst v63  }
0x15b: {  	[hbm4b:s23+s3] =	stream.linear.scatter [tilespmem:s17], [sflag:$0x4], $0x4000, $0x38;
	[tilespmem:$0x16400] =	vst v63  }
.Ltmp7:
0x15c: {  	(pc) =	sbr.rel .LBB2_2-.Ltmp7, $4  }
0x15d: {  	_ =	swait.ge [sflag:s19], $0x4000;
	s23 =	sshll.u32 s22, $0xA  }
0x15e: {  	[sflag:s19] =	ssyncset.done $0x0;
	s23 =	sand.u32 $0x3FFFFC00, s23  }
0x15f: {  	s22 =	sadd.s32 $0x1, s22;
	[sflag:s19] =	ssyncadd.s32 $0xFFFFC000;
	s23 =	sadd.s32 $0x600, s23  }
0x160: {  	[tilespmem:s15], [sflag:$0x3] =	stream.indirect.gather [hbm4b:s5+s11], $0x40, s23, s11, $0xb8;
	[tilespmem:$0x16400] =	vst v63  }
.LBB2_13:
0x161: {  	_ =	sfence.sel $0x180000  }
0x162: {  	[bflag:$0x0] =	sbarrier.arrive $0xFFFF  }
0x163: {  	p0 =	sne.s32 s0, $0x0;
	_ =	strace $0x90000047  }
0x164: {  	s0 =	sadd.s32 @!p0 $0x100000, s1;
	[bflag:$0x2] =	sbarrier.arrive $0xFFFF  }
0x165: {  	[sflag:s0] =	ssyncadd.tile.s32 @!p0 $0x1;
	_ =	shalt  }
.Lfunc_end2:
_tile_overlayer_lowered:
.L_overlay_start_2:
0x166: {  	(tag) =	ssettag $0x2  }
0x167: {  	s0 =	rddreg [dreg:$0x0];
	s2 =	stileid.u32  }
0x168: {  	s1 =	rddreg [dreg:$0x1];
	p0 =	sne.s32 s2, $0x0  }
0x169: {  	s3 =	rddreg [dreg:$0x2];
	[bflag:$0x3] =	sbarrier.arrive $0xFFFF;
	s2 =	simm.s32 @!p0 $0x1C05  }
0x16a: {  	[timem:s3], [sflag:s2] =	dma.local @!p0 [hbm:s0], s1  }
0x16b: {  	s0 =	simm.s32 @!p0 $0x5  }
0x16c: {  	_ =	swait.ge @!p0 [sflag:s0], s1  }
0x16d: {  	s1 =	ssub.s32 @!p0 $0x0, s1;
	[sflag:s0] =	ssyncset.done @!p0 $0x0  }
0x16e: {  	[sflag:s0] =	ssyncadd.s32 @!p0 s1  }
0x16f: {  	[bflag:$0x3] =	sbarrier.arrive $0xFFFF  }
0x170: {  	_ =	shalt  }

// kernel: sparse-core-data-format-call.cloned.1.call-start
scs
called_computation_lowered:
.L_overlay_start_0:
0x0: {  	s2 =	sld [smem:$0x3FD9]  }
0x1: {  	s3 =	sld [smem:$0x3FFE];
	_ =	sdelay $0x1  }
0x2: {  	s1 =	srdreg.scid  }
0x3: {  	s0 =	sand.u32 $0x1, s1  }
0x4: {  	s18 =	sshll.u32 s0, $0xA;
	s2 =	sadd.s32 s3, s2  }
0x5: {  	s2 =	sadd.s32 s2, s18  }
0x6: {  	[smem:$0x3FC6] =	sst s2  }
0x7: {  	_ = 	snop  }
0x8: {  	s2 =	sld [smem:$0x3FD0];
	(tm) =	ssettm $0x1  }
0x9: {  	s19 =	sld [smem:$0x3FFB];
	_ =	sdelay $0x3  }
0xa: {  	_ =	strace s19  }
0xb: {  	s3 =	sld [smem:$0x3FFC];
	_ =	sdelay $0x3  }
0xc: {  	_ =	strace s3  }
0xd: {  	s3 =	sld [smem:$0x3FFD];
	_ =	sdelay $0x3  }
0xe: {  	_ =	strace s3  }
0xf: {  	_ =	strace $0x8FFFFFFF  }
0x10: {  	s20 =	sld [smem:$0x3FDB];
	_ =	sdelay $0x1  }
0x11: {  	s4 =	simm.s32 $_scs_section_size  }
0x12: {  	s5 =	simm.s32 $_size__tile_overlayer_lowered;
	s6 =	simm.s32 $_tile_overlayer_lowered  }
0x13: {  	s23 =	simm.s32 $0x1BFF;
	s22 =	sshll.u32 s6, $0x1;
	s3 =	sadd.s32 s4, s20  }
0x14: {  	s7 =	simm.s32 $0x0;
	s21 =	sshll.u32 s5, $0x1;
	s5 =	sadd.s32 s22, s3  }
0x15: {  	[timem:s7], [sflag:s23] =	dma.local [hbm:s5], s21  }
0x16: {  	_ =	swait.ge [sflag:s23], s21  }
0x17: {  	s4 =	ssub.s32 $0x0, s21;
	[sflag:s23] =	ssyncset.done $0x0  }
0x18: {  	[sflag:s23] =	ssyncadd.s32 s4;
	_ =	sdelay $0x1  }
0x19: {  	s24 =	simm.s32 $0x1B8B  }
0x1a: {  	_ =	swait.ge [sflag:s24], $0x1  }
0x1b: {  	[sflag:s24] =	ssyncset.done $0x0  }
0x1c: {  	s26 =	simm.s32 $0x1B8E;
	s25 =	sld [smem:$0x3FFE];
	[sflag:s24] =	ssyncadd.s32 $0xFFFFFFFF  }
0x1d: {  	s27 =	simm.s32 $execute0_lowered;
	[smem:$0x3FD2] =	sst s26  }
0x1e: {  	s5 =	sshll.u32 s27, $0x1;
	_ =	strace $0x80000049;
	[dreg:$0x1] =	wrdreg $0xFFFFFFFF  }
0x1f: {  	s28 =	simm.s32 $_size_execute0_lowered;
	s3 =	sadd.s32 s3, s5;
	[dreg:$0x0] =	wrdreg $0x0  }
0x20: {  	s5 =	sshll.u32 s28, $0x1;
	[dreg:$0x2] =	wrdreg s3  }
0x21: {  	[dreg:$0x3] =	wrdreg s5  }
0x22: {  	[dreg:$0x4] =	wrdreg $0xC0  }
0x23: {  	_ =	task [dreg:s7], $0x5FFFF  }
0x24: {  	[dreg:$0x1] =	wrdreg $0xFFFFFFFF  }
0x25: {  	[dreg:$0x0] =	wrdreg $0x60  }
0x26: {  	[dreg:$0x2] =	wrdreg s25  }
0x27: {  	[dreg:$0x3] =	wrdreg s2  }
0x28: {  	[dreg:$0x4] =	wrdreg $0x9  }
0x29: {  	_ =	task.clear_ibuf [dreg:s7], $0x5FFFF;
	_ =	strace $0x90000049  }
0x2a: {  	s29 =	simm.s32 $0x9;
	_ =	strace $0x8000004B  }
0x2b: {  	_ =	swait.ge [sflag:s29], $0x1  }
0x2c: {  	[sflag:s29] =	ssyncadd.s32 $0xFFFFFFFF  }
0x2d: {  	_ =	strace $0x9000004B  }
0x2e: {  	_ =	sfence  }
0x2f: {  	s30 =	sld [smem:$0x0];
	_ =	sdelay $0x2  }
0x30: {  	s31 =	sshll.u32 s1, $0xD;
	s1 =	sshrl.u32 s1, $0x2  }
0x31: {  	s3 =	sand.u32 $0x4000, s31;
	s1 =	sadd.s32 s1, s30  }
0x32: {  	s0 =	sor.u32 s3, s0;
	s1 =	sshll.u32 s1, $0x11  }
0x33: {  	s0 =	sor.u32 s1, s0  }
0x34: {  	s0 =	sadd.s32 $0x8F2B, s0  }
0x35: {  	[sflag:s0] =	ssyncadd.remote.s32 $0x1  }
0x36: {  	_ =	sfence.sel $0xFFFF  }
0x37: {  	[dreg:$0x0] =	wrdreg $0xFFFFFFFF;
	(pc) =	sbr.abs _section_cstart, $3  }
0x38: {  	[dreg:$0x1] =	wrdreg $0xFFFFFFFF  }
0x39: {  	_ =	task.clear_ibuf [dreg:s7], $0x2FFFF;
	_ =	strace $0x9FFFFFFF  }
0x3a: {  	(tm) =	ssettm $0x7FFFFFFF  }
0x3b: {  	_ =	shalt  }
tec
execute0_lowered:
.L_overlay_start_1:
0x0: {  	(tag) =	ssettag $0x1  }
0x1: {  	s0 =	srdreg.scid  }
0x2: {  	s1 =	sshll.u32 s0, $0x4  }
0x3: {  	s0 =	stileid.u32;
	s1 =	sand.u32 $0x10, s1  }
0x4: {  	s1 =	sor.u32 s0, s1  }
0x5: {  	s6 =	rddreg [dreg:$0x0];
	s4 =	simm.s32 $0x1;
	s2 =	sshll.u32 s1, $0x7  }
0x6: {  	s7 =	simm.s32 $0x2;
	s12 =	simm.s32 $0x0;
	s1 =	ssub.s32 $0x1000, s2  }
0x7: {  	s8 =	simm.s32 $0x8000;
	s13 =	simm.s32 $0x0;
	s3 =	sand.u32 $0xF80, s1  }
0x8: {  	s9 =	simm.s32 $0x0;
	s5 =	sshrl.u32 s1, $0xC;
	p0 =	sne.s32 s3, $0x0  }
.Ltmp0:
0x9: {  	s1 =	rddreg [dreg:$0x2];
	s4 =	simm.s32 @!p0 $0x0;
	(pc) =	sbr.rel .LBB1_1-.Ltmp0, $4  }
0xa: {  	s11 =	simm.s32 $0x0;
	s3 =	rddreg [dreg:$0x1];
	s5 =	sadd.s32 s4, s5  }
0xb: {  	_ =	strace $0x8000004A;
	s4 =	simm.s32 $0x1;
	s5 =	smul.u32 $0xC8, s5  }
0xc: {  	s6 =	sadd.s32 $0xA00, s6;
	s10 =	smov.u32 s2;
	[sflag:s4] =	ssyncpa.u1 $0x0  }
0xd: {  	p0 =	por $0x0, $0x0;
	[sflag:s7] =	ssyncpa.u1 $0x0;
	s7 =	sor.u32 $0x1, s5  }
.LBB1_4:
0xe: {  	s16 =	sshll.u32 s13, $0x3;
	s17 =	sand.u32 $0x78, s13  }
0xf: {  	s30 =	sand.u32 $0x7E00, s13;
	s12 =	sshll.u32 s12, $0xF;
	s16 =	sand.u32 $0xC00, s16  }
0x10: {  	[tilespmem:s15+$0x810 ss:$0x81] =	vst.msk $0xffff, v2;
	s31 =	sand.u32 $0x7, s13;
	s16 =	sor.u32 s17, s16;
	s17 =	sadd.s32 s3, s30  }
0x11: {  	[tilespmem:s15+$0x1020 ss:$0x81] =	vst.msk $0xffff, v0;
	s13 =	sshll.u32 s31, $0x12;
	s12 =	sadd.s32 s12, s17;
	s16 =	sshrl.u32 s16, $0x3  }
0x12: {  	[tilespmem:s15+$0x0 ss:$0x81] =	vst.msk $0xffff, v1;
	s13 =	sor.u32 $0x400, s13;
	s12 =	sadd.s32 s16, s12  }
0x13: {  	[hbm4b:s12+s13] =	stream.strided.scatter [tilespmem:s14], [sflag:$0x2], $0x2000, s8, s13, $0x20;
	[tilespmem:$0x8080] =	vst v63  }
.LBB1_5:
0x14: {  	s14 =	sadd.s32 $0x1, s9  }
0x15: {  	s12 =	sadd.s32 $0x1000, s10;
	s16 =	smov.u32 s10;
	p2 =	sgt.s32 s14, $0xC7  }
0x16: {  	s16 =	smov.u32 @p2 s12  }
0x17: {  	s14 =	simm.s32 @p2 $0x0;
	p2 =	sgt.s32 s16, $0xFFF  }
0x18: {  	s16 =	smov.u32 @p2 s2;
	p2 =	sne.s32 s11, s7  }
.Ltmp1:
0x19: {  	p1 =	slt.u32 s11, $0x2;
	(pc) =	sbr.rel @!p2 .LBB1_6-.Ltmp1, $4  }
0x1a: {  	s15 =	simm.s32 @!p1 $0x2  }
0x1b: {  	s13 =	smov.u32 s10;
	p0 =	por !p0, !p0;
	_ =	swait.ge @!p1 [sflag:s15], $0x2000  }
0x1c: {  	s12 =	smov.u32 s9;
	[sflag:s15] =	ssyncset.done @!p1 $0x0;
	s9 =	smov.u32 s14  }
0x1d: {  	s11 =	sadd.s32 $0x1, s11;
	[sflag:s15] =	ssyncadd.s32 @!p1 $0xFFFFE000;
	s10 =	smov.u32 s16  }
.LBB1_1:
0x1e: {  	p1 =	sge.u32 s11, s5  }
0x1f: {  	s14 =	sand.u32 @!p1 $0x1FFFFFF, s9  }
0x20: {  	s15 =	smulhi.u32 @!p1 $0x147AE15, s14;
	_ =	sdelay $0x1  }
0x21: {  	s15 =	smul.u32 @!p1 $0xC8, s15  }
0x22: {  	s16 =	sxor.u32 @!p1 $0xFFFFFFFF, s11;
	s17 =	smul.u32 @!p1 $0xC80, s10  }
0x23: {  	s31 =	sadd.s32 $0xFFFFFFFF, s11;
	s16 =	sshll.u32 @!p1 s16, $0xD;
	s14 =	ssub.s32 @!p1 s14, s15  }
0x24: {  	s15 =	sand.u32 @!p1 $0x2000, s16;
	s16 =	sadd.s32 @!p1 s6, s17;
	s14 =	sshll.u32 @!p1 s14, $0x4  }
0x25: {  	s17 =	simm.s32 @!p1 $0x6400;
	s14 =	sadd.s32 @!p1 s14, s16;
	s16 =	simm.s32 @!p1 $0x40  }
0x26: {  	[tilespmem:s15], [sflag:$0x1] =	stream.strided.gather @!p1 [hbm4b:s14+s16], $0x2000, s17, s16, $0x38;
	[tilespmem:$0x8080] =	vst v63  }
0x27: {  	p1 =	sge.u32 s31, s5  }
.Ltmp2:
0x28: {  	_ = 	snop;
	(pc) =	sbr.rel @p1 .LBB1_5-.Ltmp2, $1  }
0x29: {  	_ =	sdelay $0x3  }
0x2a: {  	s14 =	simm.s32 $0x1  }
0x2b: {  	_ =	swait.ge [sflag:s4], $0x2000;
	s14 =	simm.s32 @!p0 $0x0  }
0x2c: {  	[sflag:s4] =	ssyncset.done $0x0;
	s15 =	sshll.u32 s14, $0xD  }
0x2d: {  	[sflag:s4] =	ssyncadd.s32 $0xFFFFE000;
	s18 =	sor.u32 $0x20, s15  }
0x2e: {  	s14 =	smul.u32 $0x8100, s14;
	v3 =	vld [tilespmem:s18+$0x10]  }
0x2f: {  	s30 =	sand.u32 $0x1, s11;
	v2 =	vld [tilespmem:s18+$0xFFFFFFF0]  }
0x30: {  	s15 =	smul.u32 $0x8100, s30;
	s14 =	sshrl.u32 s14, $0x2;
	v0 =	vld [tilespmem:s18+$0x0]  }
0x31: {  	v1 =	vld [tilespmem:s18+$0xFFFFFFE0];
	s16 =	sor.u32 $0x4000, s14  }
0x32: {  	s31 =	sshrl.u32 s15, $0x2;
	s15 =	sadd.s32 $0x0, s16  }
0x33: {  	s17 =	simm.s32 $0x4;
	s18 =	sadd.s32 $0x40, s18;
	s14 =	sor.u32 $0x4000, s31;
	[tilespmem:s15+$0x1830 ss:$0x81] =	vst.msk $0xffff, v3  }
.LBB1_3:
0x34: {  	v3 =	vld [tilespmem:s18+$0x10];
	p1 =	sne.s32 s17, $0x1FC;
	[tilespmem:s15+$0x810 ss:$0x81] =	vst.msk $0xffff, v2;
	s19 =	smov.u32 s17;
	s17 =	sadd.s32 $0x4, s17  }
.Ltmp3:
0x35: {  	v2 =	vld [tilespmem:s18+$0xFFFFFFF0];
	[tilespmem:s15+$0x1020 ss:$0x81] =	vst.msk $0xffff, v0;
	(pc) =	sbr.rel @p1 .LBB1_3-.Ltmp3, $4  }
0x36: {  	v0 =	vld [tilespmem:s18+$0x0];
	[tilespmem:s15+$0x0 ss:$0x81] =	vst.msk $0xffff, v1  }
0x37: {  	s15 =	sshra.s32 s19, $0x2;
	v1 =	vld [tilespmem:s18+$0xFFFFFFE0]  }
0x38: {  	s15 =	sadd.s32 s15, s16  }
0x39: {  	s18 =	sadd.s32 $0x40, s18;
	[tilespmem:s15+$0x1830 ss:$0x81] =	vst.msk $0xffff, v3  }
.Ltmp4:
0x3a: {  	_ = 	snop;
	(pc) =	sbr.rel .LBB1_4-.Ltmp4, $1  }
0x3b: {  	_ =	sdelay $0x3  }
.LBB1_6:
0x3c: {  	_ =	sfence.sel $0x180000  }
0x3d: {  	s2 =	simm.s32 $0x1;
	[bflag:$0x0] =	sbarrier.arrive $0xFFFF  }
0x3e: {  	s31 =	simm.s32 $0x2;
	[sflag:s2] =	ssyncpa.u1 $0x1  }
0x3f: {  	[sflag:s31] =	ssyncpa.u1 $0x1  }
0x40: {  	p0 =	sne.s32 s0, $0x0;
	_ =	strace $0x9000004A  }
0x41: {  	s0 =	sadd.s32 @!p0 $0x100000, s1;
	[bflag:$0x2] =	sbarrier.arrive $0xFFFF  }
0x42: {  	[sflag:s0] =	ssyncadd.tile.s32 @!p0 $0x1;
	_ =	shalt  }
.Lfunc_end1:
_tile_overlayer_lowered:
.L_overlay_start_2:
0x43: {  	(tag) =	ssettag $0x2  }
0x44: {  	s0 =	rddreg [dreg:$0x0];
	s2 =	stileid.u32  }
0x45: {  	s1 =	rddreg [dreg:$0x1];
	p0 =	sne.s32 s2, $0x0  }
0x46: {  	s3 =	rddreg [dreg:$0x2];
	[bflag:$0x3] =	sbarrier.arrive $0xFFFF;
	s2 =	simm.s32 @!p0 $0x1C01  }
0x47: {  	[timem:s3], [sflag:s2] =	dma.local @!p0 [hbm:s0], s1  }
0x48: {  	s0 =	simm.s32 @!p0 $0x1  }
0x49: {  	_ =	swait.ge @!p0 [sflag:s0], s1  }
0x4a: {  	s1 =	ssub.s32 @!p0 $0x0, s1;
	[sflag:s0] =	ssyncset.done @!p0 $0x0  }
0x4b: {  	[sflag:s0] =	ssyncadd.s32 @!p0 s1  }
0x4c: {  	[bflag:$0x3] =	sbarrier.arrive $0xFFFF  }
0x4d: {  	_ =	shalt  }

</sc_bundles>
